<compile_context>
chip_gen: v7x
topology: tpu7x:2x2x1
jax: 0.10.2.dev20260603
libtpu: 0.0.44.dev20260713+nightly
codegen_flags: <defaults>
</compile_context>

<pallas_src>
import jax
import jax.numpy as jnp
from jax import lax
from jax.experimental import pallas as pl
from jax.experimental.pallas import tpu as pltpu
from jax.experimental.pallas import tpu_sc as plsc

_NC = 2
_NS = 16
_NW = _NC * _NS

_CHUNK = 16
_NBUF = 8


def _make_gather(vocab, hidden, n_chunks, seq):
    mesh = plsc.VectorSubcoreMesh(core_axis_name="c", subcore_axis_name="s")
    b_per_w = n_chunks * _CHUNK
    w_per_row = seq // b_per_w

    @pl.kernel(
        out_type=jax.ShapeDtypeStruct((_NW * b_per_w, hidden), jnp.float32),
        mesh=mesh,
        scratch_types=[
            pltpu.VMEM((b_per_w,), jnp.int32),
            pltpu.VMEM((_NBUF * _CHUNK, hidden), jnp.float32),
            pltpu.SemaphoreType.DMA((_NBUF,)),
            pltpu.SemaphoreType.DMA((_NBUF // 2,)),
        ],
    )
    def gather(idx_hbm, table_hbm, out_hbm, idx_v, rows_v, gsems, wsems):
        wid = lax.axis_index("s") * _NC + lax.axis_index("c")
        pltpu.sync_copy(
            idx_hbm.at[wid // w_per_row,
                       pl.ds((wid % w_per_row) * b_per_w, b_per_w)],
            idx_v)
        base = wid * b_per_w
        gsem = [gsems.at[b] for b in range(_NBUF)]
        wsem = [wsems.at[p] for p in range(_NBUF // 2)]

        def issue_gather(c, b):
            pltpu.async_copy(
                table_hbm.at[idx_v.at[pl.ds(c * _CHUNK, _CHUNK)]],
                rows_v.at[pl.ds(b * _CHUNK, _CHUNK)], gsem[b])

        def wait_gather(b):
            pltpu.make_async_copy(
                table_hbm.at[pl.ds(0, _CHUNK)],
                rows_v.at[pl.ds(b * _CHUNK, _CHUNK)], gsem[b]).wait()

        def issue_write_pair(c, b):
            pltpu.async_copy(
                rows_v.at[pl.ds(b * _CHUNK, 2 * _CHUNK)],
                out_hbm.at[pl.ds(base + c * _CHUNK, 2 * _CHUNK)],
                wsem[b // 2])

        def wait_write_pair(b):
            pltpu.make_async_copy(
                rows_v.at[pl.ds(b * _CHUNK, 2 * _CHUNK)],
                out_hbm.at[pl.ds(base, 2 * _CHUNK)], wsem[b // 2]).wait()

        for b in range(_NBUF):
            issue_gather(b, b)

        @pl.loop(0, n_chunks - _NBUF, step=_NBUF)
        def _(g):
            for b in range(_NBUF):
                wait_gather(b)
                if b % 2 == 1:
                    issue_write_pair(g + b - 1, b - 1)
            for b in range(0, _NBUF, 2):
                wait_write_pair(b)
                issue_gather(g + _NBUF + b, b)
                issue_gather(g + _NBUF + b + 1, b + 1)

        for b in range(_NBUF):
            wait_gather(b)
            if b % 2 == 1:
                issue_write_pair(n_chunks - _NBUF + b - 1, b - 1)
        for b in range(0, _NBUF, 2):
            wait_write_pair(b)

    return gather


def kernel(input_ids, table):
    batch, seq = input_ids.shape
    vocab, hidden = table.shape
    total = batch * seq
    assert total % (_NW * _CHUNK) == 0
    n_chunks = total // (_NW * _CHUNK)
    assert n_chunks > _NBUF and (n_chunks - _NBUF) % _NBUF == 0
    out = _make_gather(vocab, hidden, n_chunks, seq)(
        input_ids.astype(jnp.int32), table)
    return out.reshape(batch, seq, hidden)

# --- scband reference (transcript-rebuilt; emitter-appended) ---
"""Pipeline reference for scband-text-embedding-5033701671239 (READ-ONLY COPY).

The authoritative reference and input builder live on the scoring server;
editing this copy changes nothing except your own understanding.
"""

import jax, jax.numpy as jnp
import numpy as np

VOCAB = 50257
HIDDEN = 512
BATCH = 4
SEQ = 8192


def setup_inputs(seed: int = 0) -> dict:
    key = jax.random.key(seed)
    k_idx, k_tab = jax.random.split(key)
    input_ids = jax.random.randint(k_idx, (BATCH, SEQ), 0, VOCAB, dtype=jnp.int64 if jax.config.jax_enable_x64 else jnp.int32)
    table = jax.random.normal(k_tab, (VOCAB, HIDDEN), dtype=jnp.float32) * 0.02
    return {"input_ids": input_ids, "table": table}


def reference(input_ids, table):
    # TextEmbedding.forward: embeddings = token_embedding(input_ids); dropout (identity in eval)
    embeddings = jnp.take(table, input_ids, axis=0)
    return embeddings

if __name__ == "__main__":
    import jax
    _d = setup_inputs()
    print(jax.jit(kernel)(*tuple(_d.values())))

</pallas_src>

<mosaic_0001>
#map = affine_map<(d0, d1) -> (0, 0)>
module attributes {stable_mosaic.version = 14 : i64} {
  func.func @gather(%arg0: i32, %arg1: i32, %arg2: memref<4x8192xi32, #tpu.memory_space<hbm>>, %arg3: memref<50257x512xf32, #tpu.memory_space<hbm>>, %arg4: memref<32768x512xf32, #tpu.memory_space<hbm>>, %arg5: memref<1024xi32, #tpu.memory_space<vmem>>, %arg6: memref<128x512xf32, #tpu.memory_space<vmem>>, %arg7: memref<8x!tpu.dma_semaphore, #tpu.memory_space<semaphore_mem>>, %arg8: memref<4x!tpu.dma_semaphore, #tpu.memory_space<semaphore_mem>>) attributes {dimension_semantics = [#tpu.dimension_semantics<core_parallel>, #tpu.dimension_semantics<subcore_parallel>], iteration_bounds = array<i64: 2, 16>, scalar_prefetch = 0 : i64, scratch_operands = 4 : i64, tpu.core_type = #tpu.core_type<sc_vector_subcore>, window_params = [{transform_indices = #map}, {transform_indices = #map}, {transform_indices = #map}]} {
    %mul3A = arith.constant 2 : i32
    %mul3A_0 = arith.muli %arg1, %mul3A : i32
    %add3A = arith.addi %mul3A_0, %arg0 : i32
    %jit3A = arith.constant 8 : i32
    %div3A = arith.divsi %add3A, %jit3A : i32
    %sign3A = arith.constant 0 : i32
    %sign3A_1 = arith.cmpi sgt, %add3A, %sign3A : i32
    %sign3A_2 = arith.extui %sign3A_1 : i1 to i32
    %sign3A_3 = arith.constant 0 : i32
    %sign3A_4 = arith.cmpi slt, %add3A, %sign3A_3 : i32
    %sign3A_5 = arith.extui %sign3A_4 : i1 to i32
    %sign3A_6 = arith.subi %sign3A_2, %sign3A_5 : i32
    %sign3A_7 = arith.constant 0 : i32
    %sign3A_8 = arith.cmpi sgt, %jit3A, %sign3A_7 : i32
    %sign3A_9 = arith.extui %sign3A_8 : i1 to i32
    %sign3A_10 = arith.constant 0 : i32
    %sign3A_11 = arith.cmpi slt, %jit3A, %sign3A_10 : i32
    %sign3A_12 = arith.extui %sign3A_11 : i1 to i32
    %sign3A_13 = arith.subi %sign3A_9, %sign3A_12 : i32
    %ne3A = arith.cmpi ne, %sign3A_6, %sign3A_13 : i32
    %rem3A = arith.remsi %add3A, %jit3A : i32
    %ne3A_14 = arith.constant 0 : i32
    %ne3A_15 = arith.cmpi ne, %rem3A, %ne3A_14 : i32
    %and3A = arith.andi %ne3A, %ne3A_15 : i1
    %sub3A = arith.constant 1 : i32
    %sub3A_16 = arith.subi %div3A, %sub3A : i32
    %select_n3A = arith.select %and3A, %sub3A_16, %div3A : i32
    %jit3A_17 = arith.constant 8 : i32
    %eq3A = arith.constant 0 : i32
    %eq3A_18 = arith.cmpi eq, %jit3A_17, %eq3A : i32
    %jit3A_19 = arith.constant 1 : i32
    %select_n3A_20 = arith.select %eq3A_18, %jit3A_19, %jit3A_17 : i32
    %rem3A_21 = arith.remsi %add3A, %select_n3A_20 : i32
    %ne3A_22 = arith.constant 0 : i32
    %ne3A_23 = arith.cmpi ne, %rem3A_21, %ne3A_22 : i32
    %lt3A = arith.constant 0 : i32
    %lt3A_24 = arith.cmpi slt, %rem3A_21, %lt3A : i32
    %lt3A_25 = arith.constant 0 : i32
    %lt3A_26 = arith.cmpi slt, %select_n3A_20, %lt3A_25 : i32
    %ne3A_27 = arith.xori %lt3A_24, %lt3A_26 : i1
    %and3A_28 = arith.andi %ne3A_27, %ne3A_23 : i1
    %add3A_29 = arith.addi %rem3A_21, %select_n3A_20 : i32
    %select_n3A_30 = arith.select %and3A_28, %add3A_29, %rem3A_21 : i32
    %mul3A_31 = arith.constant 1024 : i32
    %mul3A_32 = arith.muli %select_n3A_30, %mul3A_31 : i32
    "tpu.region"() ({
      %run_scoped3A = tpu.sem_alloc : memref<!tpu.dma_semaphore, #tpu.memory_space<semaphore_mem>>
      %dma_start3A_369 = tpu.memref_slice %arg2[%select_n3A, %mul3A_32] : memref<4x8192xi32, #tpu.memory_space<hbm>> -> memref<1x1024xi32, #tpu.memory_space<hbm>>
      %dma_start3A_370 = tpu.memref_squeeze %dma_start3A_369 : memref<1x1024xi32, #tpu.memory_space<hbm>> -> memref<1024xi32, #tpu.memory_space<hbm>>
      %dma_start3A_371 = tpu.memref_slice %arg2[%select_n3A, %mul3A_32] : memref<4x8192xi32, #tpu.memory_space<hbm>> -> memref<1x1024xi32, #tpu.memory_space<hbm>>
      %dma_start3A_372 = tpu.memref_squeeze %dma_start3A_371 : memref<1x1024xi32, #tpu.memory_space<hbm>> -> memref<1024xi32, #tpu.memory_space<hbm>>
      tpu.enqueue_dma source(%dma_start3A_372 : memref<1024xi32, #tpu.memory_space<hbm>>) target(%arg5 : memref<1024xi32, #tpu.memory_space<vmem>>) target_semaphore(%run_scoped3A : memref<!tpu.dma_semaphore, #tpu.memory_space<semaphore_mem>>)
      %dma_wait3A_373 = tpu.memref_slice %arg2[%select_n3A, %mul3A_32] : memref<4x8192xi32, #tpu.memory_space<hbm>> -> memref<1x1024xi32, #tpu.memory_space<hbm>>
      %dma_wait3A_374 = tpu.memref_squeeze %dma_wait3A_373 : memref<1x1024xi32, #tpu.memory_space<hbm>> -> memref<1024xi32, #tpu.memory_space<hbm>>
      %dma_wait3A_375 = tpu.memref_slice %arg2[%select_n3A, %mul3A_32] : memref<4x8192xi32, #tpu.memory_space<hbm>> -> memref<1x1024xi32, #tpu.memory_space<hbm>>
      %dma_wait3A_376 = tpu.memref_squeeze %dma_wait3A_375 : memref<1x1024xi32, #tpu.memory_space<hbm>> -> memref<1024xi32, #tpu.memory_space<hbm>>
      tpu.wait_dma2 semaphore(%run_scoped3A : memref<!tpu.dma_semaphore, #tpu.memory_space<semaphore_mem>>) src(%dma_wait3A_376 : memref<1024xi32, #tpu.memory_space<hbm>>) dst(%arg5 : memref<1024xi32, #tpu.memory_space<vmem>>)
      tpu.yield
    }) : () -> ()
    %mul3A_33 = arith.constant 1024 : i32
    %mul3A_34 = arith.muli %add3A, %mul3A_33 : i32
    %dma_start3A = arith.constant 0 : i32
    %dma_start3A_35 = arith.constant 0 : i32
    %dma_start3A_36 = arith.constant 0 : i32
    %dma_start3A_37 = tpu.memref_slice %arg6[%dma_start3A_35, %dma_start3A_36] : memref<128x512xf32, #tpu.memory_space<vmem>> -> memref<16x512xf32, #tpu.memory_space<vmem>>
    %dma_start3A_38 = arith.constant 0 : i32
    %dma_start3A_39 = tpu.memref_slice %arg5[%dma_start3A_38] : memref<1024xi32, #tpu.memory_space<vmem>> -> memref<16xi32, #tpu.memory_space<vmem>>
    %dma_start3A_40 = arith.constant 0 : i32
    %dma_start3A_41 = arith.constant 0 : i32
    %dma_start3A_42 = tpu.memref_slice %arg3[%dma_start3A_40, %dma_start3A_41] : memref<50257x512xf32, #tpu.memory_space<hbm>> -> memref<50257x512xf32, #tpu.memory_space<hbm>>
    %dma_start3A_43 = tpu.memref_slice %arg7[%dma_start3A] : memref<8x!tpu.dma_semaphore, #tpu.memory_space<semaphore_mem>> -> memref<1x!tpu.dma_semaphore, #tpu.memory_space<semaphore_mem>>
    %dma_start3A_44 = tpu.memref_squeeze %dma_start3A_43 : memref<1x!tpu.dma_semaphore, #tpu.memory_space<semaphore_mem>> -> memref<!tpu.dma_semaphore, #tpu.memory_space<semaphore_mem>>
    tpu.enqueue_indirect_dma source(%dma_start3A_42 : memref<50257x512xf32, #tpu.memory_space<hbm>>) target(%dma_start3A_37 : memref<16x512xf32, #tpu.memory_space<vmem>>) offsets(%dma_start3A_39 : memref<16xi32, #tpu.memory_space<vmem>>) semaphore(%dma_start3A_44 : memref<!tpu.dma_semaphore, #tpu.memory_space<semaphore_mem>>)
    %dma_start3A_45 = arith.constant 1 : i32
    %dma_start3A_46 = arith.constant 16 : i32
    %dma_start3A_47 = arith.constant 0 : i32
    %dma_start3A_48 = tpu.memref_slice %arg6[%dma_start3A_46, %dma_start3A_47] : memref<128x512xf32, #tpu.memory_space<vmem>> -> memref<16x512xf32, #tpu.memory_space<vmem>>
    %dma_start3A_49 = arith.constant 16 : i32
    %dma_start3A_50 = tpu.memref_slice %arg5[%dma_start3A_49] : memref<1024xi32, #tpu.memory_space<vmem>> -> memref<16xi32, #tpu.memory_space<vmem>>
    %dma_start3A_51 = arith.constant 0 : i32
    %dma_start3A_52 = arith.constant 0 : i32
    %dma_start3A_53 = tpu.memref_slice %arg3[%dma_start3A_51, %dma_start3A_52] : memref<50257x512xf32, #tpu.memory_space<hbm>> -> memref<50257x512xf32, #tpu.memory_space<hbm>>
    %dma_start3A_54 = tpu.memref_slice %arg7[%dma_start3A_45] : memref<8x!tpu.dma_semaphore, #tpu.memory_space<semaphore_mem>> -> memref<1x!tpu.dma_semaphore, #tpu.memory_space<semaphore_mem>>
    %dma_start3A_55 = tpu.memref_squeeze %dma_start3A_54 : memref<1x!tpu.dma_semaphore, #tpu.memory_space<semaphore_mem>> -> memref<!tpu.dma_semaphore, #tpu.memory_space<semaphore_mem>>
    tpu.enqueue_indirect_dma source(%dma_start3A_53 : memref<50257x512xf32, #tpu.memory_space<hbm>>) target(%dma_start3A_48 : memref<16x512xf32, #tpu.memory_space<vmem>>) offsets(%dma_start3A_50 : memref<16xi32, #tpu.memory_space<vmem>>) semaphore(%dma_start3A_55 : memref<!tpu.dma_semaphore, #tpu.memory_space<semaphore_mem>>)
    %dma_start3A_56 = arith.constant 2 : i32
    %dma_start3A_57 = arith.constant 32 : i32
    %dma_start3A_58 = arith.constant 0 : i32
    %dma_start3A_59 = tpu.memref_slice %arg6[%dma_start3A_57, %dma_start3A_58] : memref<128x512xf32, #tpu.memory_space<vmem>> -> memref<16x512xf32, #tpu.memory_space<vmem>>
    %dma_start3A_60 = arith.constant 32 : i32
    %dma_start3A_61 = tpu.memref_slice %arg5[%dma_start3A_60] : memref<1024xi32, #tpu.memory_space<vmem>> -> memref<16xi32, #tpu.memory_space<vmem>>
    %dma_start3A_62 = arith.constant 0 : i32
    %dma_start3A_63 = arith.constant 0 : i32
    %dma_start3A_64 = tpu.memref_slice %arg3[%dma_start3A_62, %dma_start3A_63] : memref<50257x512xf32, #tpu.memory_space<hbm>> -> memref<50257x512xf32, #tpu.memory_space<hbm>>
    %dma_start3A_65 = tpu.memref_slice %arg7[%dma_start3A_56] : memref<8x!tpu.dma_semaphore, #tpu.memory_space<semaphore_mem>> -> memref<1x!tpu.dma_semaphore, #tpu.memory_space<semaphore_mem>>
    %dma_start3A_66 = tpu.memref_squeeze %dma_start3A_65 : memref<1x!tpu.dma_semaphore, #tpu.memory_space<semaphore_mem>> -> memref<!tpu.dma_semaphore, #tpu.memory_space<semaphore_mem>>
    tpu.enqueue_indirect_dma source(%dma_start3A_64 : memref<50257x512xf32, #tpu.memory_space<hbm>>) target(%dma_start3A_59 : memref<16x512xf32, #tpu.memory_space<vmem>>) offsets(%dma_start3A_61 : memref<16xi32, #tpu.memory_space<vmem>>) semaphore(%dma_start3A_66 : memref<!tpu.dma_semaphore, #tpu.memory_space<semaphore_mem>>)
    %dma_start3A_67 = arith.constant 3 : i32
    %dma_start3A_68 = arith.constant 48 : i32
    %dma_start3A_69 = arith.constant 0 : i32
    %dma_start3A_70 = tpu.memref_slice %arg6[%dma_start3A_68, %dma_start3A_69] : memref<128x512xf32, #tpu.memory_space<vmem>> -> memref<16x512xf32, #tpu.memory_space<vmem>>
    %dma_start3A_71 = arith.constant 48 : i32
    %dma_start3A_72 = tpu.memref_slice %arg5[%dma_start3A_71] : memref<1024xi32, #tpu.memory_space<vmem>> -> memref<16xi32, #tpu.memory_space<vmem>>
    %dma_start3A_73 = arith.constant 0 : i32
    %dma_start3A_74 = arith.constant 0 : i32
    %dma_start3A_75 = tpu.memref_slice %arg3[%dma_start3A_73, %dma_start3A_74] : memref<50257x512xf32, #tpu.memory_space<hbm>> -> memref<50257x512xf32, #tpu.memory_space<hbm>>
    %dma_start3A_76 = tpu.memref_slice %arg7[%dma_start3A_67] : memref<8x!tpu.dma_semaphore, #tpu.memory_space<semaphore_mem>> -> memref<1x!tpu.dma_semaphore, #tpu.memory_space<semaphore_mem>>
    %dma_start3A_77 = tpu.memref_squeeze %dma_start3A_76 : memref<1x!tpu.dma_semaphore, #tpu.memory_space<semaphore_mem>> -> memref<!tpu.dma_semaphore, #tpu.memory_space<semaphore_mem>>
    tpu.enqueue_indirect_dma source(%dma_start3A_75 : memref<50257x512xf32, #tpu.memory_space<hbm>>) target(%dma_start3A_70 : memref<16x512xf32, #tpu.memory_space<vmem>>) offsets(%dma_start3A_72 : memref<16xi32, #tpu.memory_space<vmem>>) semaphore(%dma_start3A_77 : memref<!tpu.dma_semaphore, #tpu.memory_space<semaphore_mem>>)
    %dma_start3A_78 = arith.constant 4 : i32
    %dma_start3A_79 = arith.constant 64 : i32
    %dma_start3A_80 = arith.constant 0 : i32
    %dma_start3A_81 = tpu.memref_slice %arg6[%dma_start3A_79, %dma_start3A_80] : memref<128x512xf32, #tpu.memory_space<vmem>> -> memref<16x512xf32, #tpu.memory_space<vmem>>
    %dma_start3A_82 = arith.constant 64 : i32
    %dma_start3A_83 = tpu.memref_slice %arg5[%dma_start3A_82] : memref<1024xi32, #tpu.memory_space<vmem>> -> memref<16xi32, #tpu.memory_space<vmem>>
    %dma_start3A_84 = arith.constant 0 : i32
    %dma_start3A_85 = arith.constant 0 : i32
    %dma_start3A_86 = tpu.memref_slice %arg3[%dma_start3A_84, %dma_start3A_85] : memref<50257x512xf32, #tpu.memory_space<hbm>> -> memref<50257x512xf32, #tpu.memory_space<hbm>>
    %dma_start3A_87 = tpu.memref_slice %arg7[%dma_start3A_78] : memref<8x!tpu.dma_semaphore, #tpu.memory_space<semaphore_mem>> -> memref<1x!tpu.dma_semaphore, #tpu.memory_space<semaphore_mem>>
    %dma_start3A_88 = tpu.memref_squeeze %dma_start3A_87 : memref<1x!tpu.dma_semaphore, #tpu.memory_space<semaphore_mem>> -> memref<!tpu.dma_semaphore, #tpu.memory_space<semaphore_mem>>
    tpu.enqueue_indirect_dma source(%dma_start3A_86 : memref<50257x512xf32, #tpu.memory_space<hbm>>) target(%dma_start3A_81 : memref<16x512xf32, #tpu.memory_space<vmem>>) offsets(%dma_start3A_83 : memref<16xi32, #tpu.memory_space<vmem>>) semaphore(%dma_start3A_88 : memref<!tpu.dma_semaphore, #tpu.memory_space<semaphore_mem>>)
    %dma_start3A_89 = arith.constant 5 : i32
    %dma_start3A_90 = arith.constant 80 : i32
    %dma_start3A_91 = arith.constant 0 : i32
    %dma_start3A_92 = tpu.memref_slice %arg6[%dma_start3A_90, %dma_start3A_91] : memref<128x512xf32, #tpu.memory_space<vmem>> -> memref<16x512xf32, #tpu.memory_space<vmem>>
    %dma_start3A_93 = arith.constant 80 : i32
    %dma_start3A_94 = tpu.memref_slice %arg5[%dma_start3A_93] : memref<1024xi32, #tpu.memory_space<vmem>> -> memref<16xi32, #tpu.memory_space<vmem>>
    %dma_start3A_95 = arith.constant 0 : i32
    %dma_start3A_96 = arith.constant 0 : i32
    %dma_start3A_97 = tpu.memref_slice %arg3[%dma_start3A_95, %dma_start3A_96] : memref<50257x512xf32, #tpu.memory_space<hbm>> -> memref<50257x512xf32, #tpu.memory_space<hbm>>
    %dma_start3A_98 = tpu.memref_slice %arg7[%dma_start3A_89] : memref<8x!tpu.dma_semaphore, #tpu.memory_space<semaphore_mem>> -> memref<1x!tpu.dma_semaphore, #tpu.memory_space<semaphore_mem>>
    %dma_start3A_99 = tpu.memref_squeeze %dma_start3A_98 : memref<1x!tpu.dma_semaphore, #tpu.memory_space<semaphore_mem>> -> memref<!tpu.dma_semaphore, #tpu.memory_space<semaphore_mem>>
    tpu.enqueue_indirect_dma source(%dma_start3A_97 : memref<50257x512xf32, #tpu.memory_space<hbm>>) target(%dma_start3A_92 : memref<16x512xf32, #tpu.memory_space<vmem>>) offsets(%dma_start3A_94 : memref<16xi32, #tpu.memory_space<vmem>>) semaphore(%dma_start3A_99 : memref<!tpu.dma_semaphore, #tpu.memory_space<semaphore_mem>>)
    %dma_start3A_100 = arith.constant 6 : i32
    %dma_start3A_101 = arith.constant 96 : i32
    %dma_start3A_102 = arith.constant 0 : i32
    %dma_start3A_103 = tpu.memref_slice %arg6[%dma_start3A_101, %dma_start3A_102] : memref<128x512xf32, #tpu.memory_space<vmem>> -> memref<16x512xf32, #tpu.memory_space<vmem>>
    %dma_start3A_104 = arith.constant 96 : i32
    %dma_start3A_105 = tpu.memref_slice %arg5[%dma_start3A_104] : memref<1024xi32, #tpu.memory_space<vmem>> -> memref<16xi32, #tpu.memory_space<vmem>>
    %dma_start3A_106 = arith.constant 0 : i32
    %dma_start3A_107 = arith.constant 0 : i32
    %dma_start3A_108 = tpu.memref_slice %arg3[%dma_start3A_106, %dma_start3A_107] : memref<50257x512xf32, #tpu.memory_space<hbm>> -> memref<50257x512xf32, #tpu.memory_space<hbm>>
    %dma_start3A_109 = tpu.memref_slice %arg7[%dma_start3A_100] : memref<8x!tpu.dma_semaphore, #tpu.memory_space<semaphore_mem>> -> memref<1x!tpu.dma_semaphore, #tpu.memory_space<semaphore_mem>>
    %dma_start3A_110 = tpu.memref_squeeze %dma_start3A_109 : memref<1x!tpu.dma_semaphore, #tpu.memory_space<semaphore_mem>> -> memref<!tpu.dma_semaphore, #tpu.memory_space<semaphore_mem>>
    tpu.enqueue_indirect_dma source(%dma_start3A_108 : memref<50257x512xf32, #tpu.memory_space<hbm>>) target(%dma_start3A_103 : memref<16x512xf32, #tpu.memory_space<vmem>>) offsets(%dma_start3A_105 : memref<16xi32, #tpu.memory_space<vmem>>) semaphore(%dma_start3A_110 : memref<!tpu.dma_semaphore, #tpu.memory_space<semaphore_mem>>)
    %dma_start3A_111 = arith.constant 7 : i32
    %dma_start3A_112 = arith.constant 112 : i32
    %dma_start3A_113 = arith.constant 0 : i32
    %dma_start3A_114 = tpu.memref_slice %arg6[%dma_start3A_112, %dma_start3A_113] : memref<128x512xf32, #tpu.memory_space<vmem>> -> memref<16x512xf32, #tpu.memory_space<vmem>>
    %dma_start3A_115 = arith.constant 112 : i32
    %dma_start3A_116 = tpu.memref_slice %arg5[%dma_start3A_115] : memref<1024xi32, #tpu.memory_space<vmem>> -> memref<16xi32, #tpu.memory_space<vmem>>
    %dma_start3A_117 = arith.constant 0 : i32
    %dma_start3A_118 = arith.constant 0 : i32
    %dma_start3A_119 = tpu.memref_slice %arg3[%dma_start3A_117, %dma_start3A_118] : memref<50257x512xf32, #tpu.memory_space<hbm>> -> memref<50257x512xf32, #tpu.memory_space<hbm>>
    %dma_start3A_120 = tpu.memref_slice %arg7[%dma_start3A_111] : memref<8x!tpu.dma_semaphore, #tpu.memory_space<semaphore_mem>> -> memref<1x!tpu.dma_semaphore, #tpu.memory_space<semaphore_mem>>
    %dma_start3A_121 = tpu.memref_squeeze %dma_start3A_120 : memref<1x!tpu.dma_semaphore, #tpu.memory_space<semaphore_mem>> -> memref<!tpu.dma_semaphore, #tpu.memory_space<semaphore_mem>>
    tpu.enqueue_indirect_dma source(%dma_start3A_119 : memref<50257x512xf32, #tpu.memory_space<hbm>>) target(%dma_start3A_114 : memref<16x512xf32, #tpu.memory_space<vmem>>) offsets(%dma_start3A_116 : memref<16xi32, #tpu.memory_space<vmem>>) semaphore(%dma_start3A_121 : memref<!tpu.dma_semaphore, #tpu.memory_space<semaphore_mem>>)
    %scan3A = arith.constant 0 : i32
    %scan3A_122 = arith.constant 1 : i32
    %scan3A_123 = arith.constant 0 : i32
    %scan3A_124 = arith.constant 2 : i32
    %scan3A_125 = arith.constant 3 : i32
    %scan3A_126 = arith.constant 1 : i32
    %scan3A_127 = arith.constant 4 : i32
    %scan3A_128 = arith.constant 5 : i32
    %scan3A_129 = arith.constant 2 : i32
    %scan3A_130 = arith.constant 6 : i32
    %scan3A_131 = arith.constant 7 : i32
    %scan3A_132 = arith.constant 3 : i32
    %scan3A_133 = arith.constant 0 : i32
    %scan3A_134 = arith.constant 7 : i32
    %scan3A_135 = arith.addi %scan3A_133, %scan3A_134 : i32
    %scan3A_136 = arith.constant 1 : i32
    scf.for %scan3A_369 = %scan3A_133 to %scan3A_135 step %scan3A_136  : i32 {
      %mul3A_370 = arith.constant 8 : i32
      %mul3A_371 = arith.muli %scan3A_369, %mul3A_370 : i32
      %add3A_372 = arith.constant 0 : i32
      %add3A_373 = arith.addi %add3A_372, %mul3A_371 : i32
      %dma_wait3A_374 = arith.constant 0 : i32
      %dma_wait3A_375 = arith.constant 0 : i32
      %dma_wait3A_376 = tpu.memref_slice %arg6[%dma_wait3A_374, %dma_wait3A_375] : memref<128x512xf32, #tpu.memory_space<vmem>> -> memref<16x512xf32, #tpu.memory_space<vmem>>
      %dma_wait3A_377 = arith.constant 0 : i32
      %dma_wait3A_378 = arith.constant 0 : i32
      %dma_wait3A_379 = tpu.memref_slice %arg3[%dma_wait3A_377, %dma_wait3A_378] : memref<50257x512xf32, #tpu.memory_space<hbm>> -> memref<16x512xf32, #tpu.memory_space<hbm>>
      %dma_wait3A_380 = tpu.memref_slice %arg7[%scan3A] : memref<8x!tpu.dma_semaphore, #tpu.memory_space<semaphore_mem>> -> memref<1x!tpu.dma_semaphore, #tpu.memory_space<semaphore_mem>>
      %dma_wait3A_381 = tpu.memref_squeeze %dma_wait3A_380 : memref<1x!tpu.dma_semaphore, #tpu.memory_space<semaphore_mem>> -> memref<!tpu.dma_semaphore, #tpu.memory_space<semaphore_mem>>
      %dma_wait3A_382 = arith.constant 0 : i32
      %dma_wait3A_383 = arith.constant 0 : i32
      %dma_wait3A_384 = tpu.memref_slice %arg6[%dma_wait3A_382, %dma_wait3A_383] : memref<128x512xf32, #tpu.memory_space<vmem>> -> memref<16x512xf32, #tpu.memory_space<vmem>>
      %dma_wait3A_385 = arith.constant 0 : i32
      %dma_wait3A_386 = arith.constant 0 : i32
      %dma_wait3A_387 = tpu.memref_slice %arg3[%dma_wait3A_385, %dma_wait3A_386] : memref<50257x512xf32, #tpu.memory_space<hbm>> -> memref<16x512xf32, #tpu.memory_space<hbm>>
      tpu.wait_dma2 semaphore(%dma_wait3A_381 : memref<!tpu.dma_semaphore, #tpu.memory_space<semaphore_mem>>) src(%dma_wait3A_387 : memref<16x512xf32, #tpu.memory_space<hbm>>) dst(%dma_wait3A_384 : memref<16x512xf32, #tpu.memory_space<vmem>>)
      %dma_wait3A_388 = arith.constant 16 : i32
      %dma_wait3A_389 = arith.constant 0 : i32
      %dma_wait3A_390 = tpu.memref_slice %arg6[%dma_wait3A_388, %dma_wait3A_389] : memref<128x512xf32, #tpu.memory_space<vmem>> -> memref<16x512xf32, #tpu.memory_space<vmem>>
      %dma_wait3A_391 = arith.constant 0 : i32
      %dma_wait3A_392 = arith.constant 0 : i32
      %dma_wait3A_393 = tpu.memref_slice %arg3[%dma_wait3A_391, %dma_wait3A_392] : memref<50257x512xf32, #tpu.memory_space<hbm>> -> memref<16x512xf32, #tpu.memory_space<hbm>>
      %dma_wait3A_394 = tpu.memref_slice %arg7[%scan3A_122] : memref<8x!tpu.dma_semaphore, #tpu.memory_space<semaphore_mem>> -> memref<1x!tpu.dma_semaphore, #tpu.memory_space<semaphore_mem>>
      %dma_wait3A_395 = tpu.memref_squeeze %dma_wait3A_394 : memref<1x!tpu.dma_semaphore, #tpu.memory_space<semaphore_mem>> -> memref<!tpu.dma_semaphore, #tpu.memory_space<semaphore_mem>>
      %dma_wait3A_396 = arith.constant 16 : i32
      %dma_wait3A_397 = arith.constant 0 : i32
      %dma_wait3A_398 = tpu.memref_slice %arg6[%dma_wait3A_396, %dma_wait3A_397] : memref<128x512xf32, #tpu.memory_space<vmem>> -> memref<16x512xf32, #tpu.memory_space<vmem>>
      %dma_wait3A_399 = arith.constant 0 : i32
      %dma_wait3A_400 = arith.constant 0 : i32
      %dma_wait3A_401 = tpu.memref_slice %arg3[%dma_wait3A_399, %dma_wait3A_400] : memref<50257x512xf32, #tpu.memory_space<hbm>> -> memref<16x512xf32, #tpu.memory_space<hbm>>
      tpu.wait_dma2 semaphore(%dma_wait3A_395 : memref<!tpu.dma_semaphore, #tpu.memory_space<semaphore_mem>>) src(%dma_wait3A_401 : memref<16x512xf32, #tpu.memory_space<hbm>>) dst(%dma_wait3A_398 : memref<16x512xf32, #tpu.memory_space<vmem>>)
      %add3A_402 = arith.constant 1 : i32
      %add3A_403 = arith.addi %add3A_373, %add3A_402 : i32
      %sub3A_404 = arith.constant 1 : i32
      %sub3A_405 = arith.subi %add3A_403, %sub3A_404 : i32
      %mul3A_406 = arith.constant 16 : i32
      %mul3A_407 = arith.muli %sub3A_405, %mul3A_406 : i32
      %add3A_408 = arith.addi %mul3A_34, %mul3A_407 : i32
      %dma_start3A_409 = arith.constant 0 : i32
      %dma_start3A_410 = arith.constant 0 : i32
      %dma_start3A_411 = tpu.memref_slice %arg6[%dma_start3A_409, %dma_start3A_410] : memref<128x512xf32, #tpu.memory_space<vmem>> -> memref<32x512xf32, #tpu.memory_space<vmem>>
      %dma_start3A_412 = arith.constant 0 : i32
      %dma_start3A_413 = tpu.memref_slice %arg4[%add3A_408, %dma_start3A_412] : memref<32768x512xf32, #tpu.memory_space<hbm>> -> memref<32x512xf32, #tpu.memory_space<hbm>>
      %dma_start3A_414 = tpu.memref_slice %arg8[%scan3A_123] : memref<4x!tpu.dma_semaphore, #tpu.memory_space<semaphore_mem>> -> memref<1x!tpu.dma_semaphore, #tpu.memory_space<semaphore_mem>>
      %dma_start3A_415 = tpu.memref_squeeze %dma_start3A_414 : memref<1x!tpu.dma_semaphore, #tpu.memory_space<semaphore_mem>> -> memref<!tpu.dma_semaphore, #tpu.memory_space<semaphore_mem>>
      %dma_start3A_416 = arith.constant 0 : i32
      %dma_start3A_417 = tpu.memref_slice %arg4[%add3A_408, %dma_start3A_416] : memref<32768x512xf32, #tpu.memory_space<hbm>> -> memref<32x512xf32, #tpu.memory_space<hbm>>
      %dma_start3A_418 = arith.constant 0 : i32
      %dma_start3A_419 = arith.constant 0 : i32
      %dma_start3A_420 = tpu.memref_slice %arg6[%dma_start3A_418, %dma_start3A_419] : memref<128x512xf32, #tpu.memory_space<vmem>> -> memref<32x512xf32, #tpu.memory_space<vmem>>
      tpu.enqueue_dma source(%dma_start3A_420 : memref<32x512xf32, #tpu.memory_space<vmem>>) target(%dma_start3A_417 : memref<32x512xf32, #tpu.memory_space<hbm>>) target_semaphore(%dma_start3A_415 : memref<!tpu.dma_semaphore, #tpu.memory_space<semaphore_mem>>)
      %dma_wait3A_421 = arith.constant 32 : i32
      %dma_wait3A_422 = arith.constant 0 : i32
      %dma_wait3A_423 = tpu.memref_slice %arg6[%dma_wait3A_421, %dma_wait3A_422] : memref<128x512xf32, #tpu.memory_space<vmem>> -> memref<16x512xf32, #tpu.memory_space<vmem>>
      %dma_wait3A_424 = arith.constant 0 : i32
      %dma_wait3A_425 = arith.constant 0 : i32
      %dma_wait3A_426 = tpu.memref_slice %arg3[%dma_wait3A_424, %dma_wait3A_425] : memref<50257x512xf32, #tpu.memory_space<hbm>> -> memref<16x512xf32, #tpu.memory_space<hbm>>
      %dma_wait3A_427 = tpu.memref_slice %arg7[%scan3A_124] : memref<8x!tpu.dma_semaphore, #tpu.memory_space<semaphore_mem>> -> memref<1x!tpu.dma_semaphore, #tpu.memory_space<semaphore_mem>>
      %dma_wait3A_428 = tpu.memref_squeeze %dma_wait3A_427 : memref<1x!tpu.dma_semaphore, #tpu.memory_space<semaphore_mem>> -> memref<!tpu.dma_semaphore, #tpu.memory_space<semaphore_mem>>
      %dma_wait3A_429 = arith.constant 32 : i32
      %dma_wait3A_430 = arith.constant 0 : i32
      %dma_wait3A_431 = tpu.memref_slice %arg6[%dma_wait3A_429, %dma_wait3A_430] : memref<128x512xf32, #tpu.memory_space<vmem>> -> memref<16x512xf32, #tpu.memory_space<vmem>>
      %dma_wait3A_432 = arith.constant 0 : i32
      %dma_wait3A_433 = arith.constant 0 : i32
      %dma_wait3A_434 = tpu.memref_slice %arg3[%dma_wait3A_432, %dma_wait3A_433] : memref<50257x512xf32, #tpu.memory_space<hbm>> -> memref<16x512xf32, #tpu.memory_space<hbm>>
      tpu.wait_dma2 semaphore(%dma_wait3A_428 : memref<!tpu.dma_semaphore, #tpu.memory_space<semaphore_mem>>) src(%dma_wait3A_434 : memref<16x512xf32, #tpu.memory_space<hbm>>) dst(%dma_wait3A_431 : memref<16x512xf32, #tpu.memory_space<vmem>>)
      %dma_wait3A_435 = arith.constant 48 : i32
      %dma_wait3A_436 = arith.constant 0 : i32
      %dma_wait3A_437 = tpu.memref_slice %arg6[%dma_wait3A_435, %dma_wait3A_436] : memref<128x512xf32, #tpu.memory_space<vmem>> -> memref<16x512xf32, #tpu.memory_space<vmem>>
      %dma_wait3A_438 = arith.constant 0 : i32
      %dma_wait3A_439 = arith.constant 0 : i32
      %dma_wait3A_440 = tpu.memref_slice %arg3[%dma_wait3A_438, %dma_wait3A_439] : memref<50257x512xf32, #tpu.memory_space<hbm>> -> memref<16x512xf32, #tpu.memory_space<hbm>>
      %dma_wait3A_441 = tpu.memref_slice %arg7[%scan3A_125] : memref<8x!tpu.dma_semaphore, #tpu.memory_space<semaphore_mem>> -> memref<1x!tpu.dma_semaphore, #tpu.memory_space<semaphore_mem>>
      %dma_wait3A_442 = tpu.memref_squeeze %dma_wait3A_441 : memref<1x!tpu.dma_semaphore, #tpu.memory_space<semaphore_mem>> -> memref<!tpu.dma_semaphore, #tpu.memory_space<semaphore_mem>>
      %dma_wait3A_443 = arith.constant 48 : i32
      %dma_wait3A_444 = arith.constant 0 : i32
      %dma_wait3A_445 = tpu.memref_slice %arg6[%dma_wait3A_443, %dma_wait3A_444] : memref<128x512xf32, #tpu.memory_space<vmem>> -> memref<16x512xf32, #tpu.memory_space<vmem>>
      %dma_wait3A_446 = arith.constant 0 : i32
      %dma_wait3A_447 = arith.constant 0 : i32
      %dma_wait3A_448 = tpu.memref_slice %arg3[%dma_wait3A_446, %dma_wait3A_447] : memref<50257x512xf32, #tpu.memory_space<hbm>> -> memref<16x512xf32, #tpu.memory_space<hbm>>
      tpu.wait_dma2 semaphore(%dma_wait3A_442 : memref<!tpu.dma_semaphore, #tpu.memory_space<semaphore_mem>>) src(%dma_wait3A_448 : memref<16x512xf32, #tpu.memory_space<hbm>>) dst(%dma_wait3A_445 : memref<16x512xf32, #tpu.memory_space<vmem>>)
      %add3A_449 = arith.constant 3 : i32
      %add3A_450 = arith.addi %add3A_373, %add3A_449 : i32
      %sub3A_451 = arith.constant 1 : i32
      %sub3A_452 = arith.subi %add3A_450, %sub3A_451 : i32
      %mul3A_453 = arith.constant 16 : i32
      %mul3A_454 = arith.muli %sub3A_452, %mul3A_453 : i32
      %add3A_455 = arith.addi %mul3A_34, %mul3A_454 : i32
      %dma_start3A_456 = arith.constant 32 : i32
      %dma_start3A_457 = arith.constant 0 : i32
      %dma_start3A_458 = tpu.memref_slice %arg6[%dma_start3A_456, %dma_start3A_457] : memref<128x512xf32, #tpu.memory_space<vmem>> -> memref<32x512xf32, #tpu.memory_space<vmem>>
      %dma_start3A_459 = arith.constant 0 : i32
      %dma_start3A_460 = tpu.memref_slice %arg4[%add3A_455, %dma_start3A_459] : memref<32768x512xf32, #tpu.memory_space<hbm>> -> memref<32x512xf32, #tpu.memory_space<hbm>>
      %dma_start3A_461 = tpu.memref_slice %arg8[%scan3A_126] : memref<4x!tpu.dma_semaphore, #tpu.memory_space<semaphore_mem>> -> memref<1x!tpu.dma_semaphore, #tpu.memory_space<semaphore_mem>>
      %dma_start3A_462 = tpu.memref_squeeze %dma_start3A_461 : memref<1x!tpu.dma_semaphore, #tpu.memory_space<semaphore_mem>> -> memref<!tpu.dma_semaphore, #tpu.memory_space<semaphore_mem>>
      %dma_start3A_463 = arith.constant 0 : i32
      %dma_start3A_464 = tpu.memref_slice %arg4[%add3A_455, %dma_start3A_463] : memref<32768x512xf32, #tpu.memory_space<hbm>> -> memref<32x512xf32, #tpu.memory_space<hbm>>
      %dma_start3A_465 = arith.constant 32 : i32
      %dma_start3A_466 = arith.constant 0 : i32
      %dma_start3A_467 = tpu.memref_slice %arg6[%dma_start3A_465, %dma_start3A_466] : memref<128x512xf32, #tpu.memory_space<vmem>> -> memref<32x512xf32, #tpu.memory_space<vmem>>
      tpu.enqueue_dma source(%dma_start3A_467 : memref<32x512xf32, #tpu.memory_space<vmem>>) target(%dma_start3A_464 : memref<32x512xf32, #tpu.memory_space<hbm>>) target_semaphore(%dma_start3A_462 : memref<!tpu.dma_semaphore, #tpu.memory_space<semaphore_mem>>)
      %dma_wait3A_468 = arith.constant 64 : i32
      %dma_wait3A_469 = arith.constant 0 : i32
      %dma_wait3A_470 = tpu.memref_slice %arg6[%dma_wait3A_468, %dma_wait3A_469] : memref<128x512xf32, #tpu.memory_space<vmem>> -> memref<16x512xf32, #tpu.memory_space<vmem>>
      %dma_wait3A_471 = arith.constant 0 : i32
      %dma_wait3A_472 = arith.constant 0 : i32
      %dma_wait3A_473 = tpu.memref_slice %arg3[%dma_wait3A_471, %dma_wait3A_472] : memref<50257x512xf32, #tpu.memory_space<hbm>> -> memref<16x512xf32, #tpu.memory_space<hbm>>
      %dma_wait3A_474 = tpu.memref_slice %arg7[%scan3A_127] : memref<8x!tpu.dma_semaphore, #tpu.memory_space<semaphore_mem>> -> memref<1x!tpu.dma_semaphore, #tpu.memory_space<semaphore_mem>>
      %dma_wait3A_475 = tpu.memref_squeeze %dma_wait3A_474 : memref<1x!tpu.dma_semaphore, #tpu.memory_space<semaphore_mem>> -> memref<!tpu.dma_semaphore, #tpu.memory_space<semaphore_mem>>
      %dma_wait3A_476 = arith.constant 64 : i32
      %dma_wait3A_477 = arith.constant 0 : i32
      %dma_wait3A_478 = tpu.memref_slice %arg6[%dma_wait3A_476, %dma_wait3A_477] : memref<128x512xf32, #tpu.memory_space<vmem>> -> memref<16x512xf32, #tpu.memory_space<vmem>>
      %dma_wait3A_479 = arith.constant 0 : i32
      %dma_wait3A_480 = arith.constant 0 : i32
      %dma_wait3A_481 = tpu.memref_slice %arg3[%dma_wait3A_479, %dma_wait3A_480] : memref<50257x512xf32, #tpu.memory_space<hbm>> -> memref<16x512xf32, #tpu.memory_space<hbm>>
      tpu.wait_dma2 semaphore(%dma_wait3A_475 : memref<!tpu.dma_semaphore, #tpu.memory_space<semaphore_mem>>) src(%dma_wait3A_481 : memref<16x512xf32, #tpu.memory_space<hbm>>) dst(%dma_wait3A_478 : memref<16x512xf32, #tpu.memory_space<vmem>>)
      %dma_wait3A_482 = arith.constant 80 : i32
      %dma_wait3A_483 = arith.constant 0 : i32
      %dma_wait3A_484 = tpu.memref_slice %arg6[%dma_wait3A_482, %dma_wait3A_483] : memref<128x512xf32, #tpu.memory_space<vmem>> -> memref<16x512xf32, #tpu.memory_space<vmem>>
      %dma_wait3A_485 = arith.constant 0 : i32
      %dma_wait3A_486 = arith.constant 0 : i32
      %dma_wait3A_487 = tpu.memref_slice %arg3[%dma_wait3A_485, %dma_wait3A_486] : memref<50257x512xf32, #tpu.memory_space<hbm>> -> memref<16x512xf32, #tpu.memory_space<hbm>>
      %dma_wait3A_488 = tpu.memref_slice %arg7[%scan3A_128] : memref<8x!tpu.dma_semaphore, #tpu.memory_space<semaphore_mem>> -> memref<1x!tpu.dma_semaphore, #tpu.memory_space<semaphore_mem>>
      %dma_wait3A_489 = tpu.memref_squeeze %dma_wait3A_488 : memref<1x!tpu.dma_semaphore, #tpu.memory_space<semaphore_mem>> -> memref<!tpu.dma_semaphore, #tpu.memory_space<semaphore_mem>>
      %dma_wait3A_490 = arith.constant 80 : i32
      %dma_wait3A_491 = arith.constant 0 : i32
      %dma_wait3A_492 = tpu.memref_slice %arg6[%dma_wait3A_490, %dma_wait3A_491] : memref<128x512xf32, #tpu.memory_space<vmem>> -> memref<16x512xf32, #tpu.memory_space<vmem>>
      %dma_wait3A_493 = arith.constant 0 : i32
      %dma_wait3A_494 = arith.constant 0 : i32
      %dma_wait3A_495 = tpu.memref_slice %arg3[%dma_wait3A_493, %dma_wait3A_494] : memref<50257x512xf32, #tpu.memory_space<hbm>> -> memref<16x512xf32, #tpu.memory_space<hbm>>
      tpu.wait_dma2 semaphore(%dma_wait3A_489 : memref<!tpu.dma_semaphore, #tpu.memory_space<semaphore_mem>>) src(%dma_wait3A_495 : memref<16x512xf32, #tpu.memory_space<hbm>>) dst(%dma_wait3A_492 : memref<16x512xf32, #tpu.memory_space<vmem>>)
      %add3A_496 = arith.constant 5 : i32
      %add3A_497 = arith.addi %add3A_373, %add3A_496 : i32
      %sub3A_498 = arith.constant 1 : i32
      %sub3A_499 = arith.subi %add3A_497, %sub3A_498 : i32
      %mul3A_500 = arith.constant 16 : i32
      %mul3A_501 = arith.muli %sub3A_499, %mul3A_500 : i32
      %add3A_502 = arith.addi %mul3A_34, %mul3A_501 : i32
      %dma_start3A_503 = arith.constant 64 : i32
      %dma_start3A_504 = arith.constant 0 : i32
      %dma_start3A_505 = tpu.memref_slice %arg6[%dma_start3A_503, %dma_start3A_504] : memref<128x512xf32, #tpu.memory_space<vmem>> -> memref<32x512xf32, #tpu.memory_space<vmem>>
      %dma_start3A_506 = arith.constant 0 : i32
      %dma_start3A_507 = tpu.memref_slice %arg4[%add3A_502, %dma_start3A_506] : memref<32768x512xf32, #tpu.memory_space<hbm>> -> memref<32x512xf32, #tpu.memory_space<hbm>>
      %dma_start3A_508 = tpu.memref_slice %arg8[%scan3A_129] : memref<4x!tpu.dma_semaphore, #tpu.memory_space<semaphore_mem>> -> memref<1x!tpu.dma_semaphore, #tpu.memory_space<semaphore_mem>>
      %dma_start3A_509 = tpu.memref_squeeze %dma_start3A_508 : memref<1x!tpu.dma_semaphore, #tpu.memory_space<semaphore_mem>> -> memref<!tpu.dma_semaphore, #tpu.memory_space<semaphore_mem>>
      %dma_start3A_510 = arith.constant 0 : i32
      %dma_start3A_511 = tpu.memref_slice %arg4[%add3A_502, %dma_start3A_510] : memref<32768x512xf32, #tpu.memory_space<hbm>> -> memref<32x512xf32, #tpu.memory_space<hbm>>
      %dma_start3A_512 = arith.constant 64 : i32
      %dma_start3A_513 = arith.constant 0 : i32
      %dma_start3A_514 = tpu.memref_slice %arg6[%dma_start3A_512, %dma_start3A_513] : memref<128x512xf32, #tpu.memory_space<vmem>> -> memref<32x512xf32, #tpu.memory_space<vmem>>
      tpu.enqueue_dma source(%dma_start3A_514 : memref<32x512xf32, #tpu.memory_space<vmem>>) target(%dma_start3A_511 : memref<32x512xf32, #tpu.memory_space<hbm>>) target_semaphore(%dma_start3A_509 : memref<!tpu.dma_semaphore, #tpu.memory_space<semaphore_mem>>)
      %dma_wait3A_515 = arith.constant 96 : i32
      %dma_wait3A_516 = arith.constant 0 : i32
      %dma_wait3A_517 = tpu.memref_slice %arg6[%dma_wait3A_515, %dma_wait3A_516] : memref<128x512xf32, #tpu.memory_space<vmem>> -> memref<16x512xf32, #tpu.memory_space<vmem>>
      %dma_wait3A_518 = arith.constant 0 : i32
      %dma_wait3A_519 = arith.constant 0 : i32
      %dma_wait3A_520 = tpu.memref_slice %arg3[%dma_wait3A_518, %dma_wait3A_519] : memref<50257x512xf32, #tpu.memory_space<hbm>> -> memref<16x512xf32, #tpu.memory_space<hbm>>
      %dma_wait3A_521 = tpu.memref_slice %arg7[%scan3A_130] : memref<8x!tpu.dma_semaphore, #tpu.memory_space<semaphore_mem>> -> memref<1x!tpu.dma_semaphore, #tpu.memory_space<semaphore_mem>>
      %dma_wait3A_522 = tpu.memref_squeeze %dma_wait3A_521 : memref<1x!tpu.dma_semaphore, #tpu.memory_space<semaphore_mem>> -> memref<!tpu.dma_semaphore, #tpu.memory_space<semaphore_mem>>
      %dma_wait3A_523 = arith.constant 96 : i32
      %dma_wait3A_524 = arith.constant 0 : i32
      %dma_wait3A_525 = tpu.memref_slice %arg6[%dma_wait3A_523, %dma_wait3A_524] : memref<128x512xf32, #tpu.memory_space<vmem>> -> memref<16x512xf32, #tpu.memory_space<vmem>>
      %dma_wait3A_526 = arith.constant 0 : i32
      %dma_wait3A_527 = arith.constant 0 : i32
      %dma_wait3A_528 = tpu.memref_slice %arg3[%dma_wait3A_526, %dma_wait3A_527] : memref<50257x512xf32, #tpu.memory_space<hbm>> -> memref<16x512xf32, #tpu.memory_space<hbm>>
      tpu.wait_dma2 semaphore(%dma_wait3A_522 : memref<!tpu.dma_semaphore, #tpu.memory_space<semaphore_mem>>) src(%dma_wait3A_528 : memref<16x512xf32, #tpu.memory_space<hbm>>) dst(%dma_wait3A_525 : memref<16x512xf32, #tpu.memory_space<vmem>>)
      %dma_wait3A_529 = arith.constant 112 : i32
      %dma_wait3A_530 = arith.constant 0 : i32
      %dma_wait3A_531 = tpu.memref_slice %arg6[%dma_wait3A_529, %dma_wait3A_530] : memref<128x512xf32, #tpu.memory_space<vmem>> -> memref<16x512xf32, #tpu.memory_space<vmem>>
      %dma_wait3A_532 = arith.constant 0 : i32
      %dma_wait3A_533 = arith.constant 0 : i32
      %dma_wait3A_534 = tpu.memref_slice %arg3[%dma_wait3A_532, %dma_wait3A_533] : memref<50257x512xf32, #tpu.memory_space<hbm>> -> memref<16x512xf32, #tpu.memory_space<hbm>>
      %dma_wait3A_535 = tpu.memref_slice %arg7[%scan3A_131] : memref<8x!tpu.dma_semaphore, #tpu.memory_space<semaphore_mem>> -> memref<1x!tpu.dma_semaphore, #tpu.memory_space<semaphore_mem>>
      %dma_wait3A_536 = tpu.memref_squeeze %dma_wait3A_535 : memref<1x!tpu.dma_semaphore, #tpu.memory_space<semaphore_mem>> -> memref<!tpu.dma_semaphore, #tpu.memory_space<semaphore_mem>>
      %dma_wait3A_537 = arith.constant 112 : i32
      %dma_wait3A_538 = arith.constant 0 : i32
      %dma_wait3A_539 = tpu.memref_slice %arg6[%dma_wait3A_537, %dma_wait3A_538] : memref<128x512xf32, #tpu.memory_space<vmem>> -> memref<16x512xf32, #tpu.memory_space<vmem>>
      %dma_wait3A_540 = arith.constant 0 : i32
      %dma_wait3A_541 = arith.constant 0 : i32
      %dma_wait3A_542 = tpu.memref_slice %arg3[%dma_wait3A_540, %dma_wait3A_541] : memref<50257x512xf32, #tpu.memory_space<hbm>> -> memref<16x512xf32, #tpu.memory_space<hbm>>
      tpu.wait_dma2 semaphore(%dma_wait3A_536 : memref<!tpu.dma_semaphore, #tpu.memory_space<semaphore_mem>>) src(%dma_wait3A_542 : memref<16x512xf32, #tpu.memory_space<hbm>>) dst(%dma_wait3A_539 : memref<16x512xf32, #tpu.memory_space<vmem>>)
      %add3A_543 = arith.constant 7 : i32
      %add3A_544 = arith.addi %add3A_373, %add3A_543 : i32
      %sub3A_545 = arith.constant 1 : i32
      %sub3A_546 = arith.subi %add3A_544, %sub3A_545 : i32
      %mul3A_547 = arith.constant 16 : i32
      %mul3A_548 = arith.muli %sub3A_546, %mul3A_547 : i32
      %add3A_549 = arith.addi %mul3A_34, %mul3A_548 : i32
      %dma_start3A_550 = arith.constant 96 : i32
      %dma_start3A_551 = arith.constant 0 : i32
      %dma_start3A_552 = tpu.memref_slice %arg6[%dma_start3A_550, %dma_start3A_551] : memref<128x512xf32, #tpu.memory_space<vmem>> -> memref<32x512xf32, #tpu.memory_space<vmem>>
      %dma_start3A_553 = arith.constant 0 : i32
      %dma_start3A_554 = tpu.memref_slice %arg4[%add3A_549, %dma_start3A_553] : memref<32768x512xf32, #tpu.memory_space<hbm>> -> memref<32x512xf32, #tpu.memory_space<hbm>>
      %dma_start3A_555 = tpu.memref_slice %arg8[%scan3A_132] : memref<4x!tpu.dma_semaphore, #tpu.memory_space<semaphore_mem>> -> memref<1x!tpu.dma_semaphore, #tpu.memory_space<semaphore_mem>>
      %dma_start3A_556 = tpu.memref_squeeze %dma_start3A_555 : memref<1x!tpu.dma_semaphore, #tpu.memory_space<semaphore_mem>> -> memref<!tpu.dma_semaphore, #tpu.memory_space<semaphore_mem>>
      %dma_start3A_557 = arith.constant 0 : i32
      %dma_start3A_558 = tpu.memref_slice %arg4[%add3A_549, %dma_start3A_557] : memref<32768x512xf32, #tpu.memory_space<hbm>> -> memref<32x512xf32, #tpu.memory_space<hbm>>
      %dma_start3A_559 = arith.constant 96 : i32
      %dma_start3A_560 = arith.constant 0 : i32
      %dma_start3A_561 = tpu.memref_slice %arg6[%dma_start3A_559, %dma_start3A_560] : memref<128x512xf32, #tpu.memory_space<vmem>> -> memref<32x512xf32, #tpu.memory_space<vmem>>
      tpu.enqueue_dma source(%dma_start3A_561 : memref<32x512xf32, #tpu.memory_space<vmem>>) target(%dma_start3A_558 : memref<32x512xf32, #tpu.memory_space<hbm>>) target_semaphore(%dma_start3A_556 : memref<!tpu.dma_semaphore, #tpu.memory_space<semaphore_mem>>)
      %dma_wait3A_562 = arith.constant 0 : i32
      %dma_wait3A_563 = arith.constant 0 : i32
      %dma_wait3A_564 = tpu.memref_slice %arg6[%dma_wait3A_562, %dma_wait3A_563] : memref<128x512xf32, #tpu.memory_space<vmem>> -> memref<32x512xf32, #tpu.memory_space<vmem>>
      %dma_wait3A_565 = arith.constant 0 : i32
      %dma_wait3A_566 = tpu.memref_slice %arg4[%mul3A_34, %dma_wait3A_565] : memref<32768x512xf32, #tpu.memory_space<hbm>> -> memref<32x512xf32, #tpu.memory_space<hbm>>
      %dma_wait3A_567 = tpu.memref_slice %arg8[%scan3A_123] : memref<4x!tpu.dma_semaphore, #tpu.memory_space<semaphore_mem>> -> memref<1x!tpu.dma_semaphore, #tpu.memory_space<semaphore_mem>>
      %dma_wait3A_568 = tpu.memref_squeeze %dma_wait3A_567 : memref<1x!tpu.dma_semaphore, #tpu.memory_space<semaphore_mem>> -> memref<!tpu.dma_semaphore, #tpu.memory_space<semaphore_mem>>
      %dma_wait3A_569 = arith.constant 0 : i32
      %dma_wait3A_570 = tpu.memref_slice %arg4[%mul3A_34, %dma_wait3A_569] : memref<32768x512xf32, #tpu.memory_space<hbm>> -> memref<32x512xf32, #tpu.memory_space<hbm>>
      %dma_wait3A_571 = arith.constant 0 : i32
      %dma_wait3A_572 = arith.constant 0 : i32
      %dma_wait3A_573 = tpu.memref_slice %arg6[%dma_wait3A_571, %dma_wait3A_572] : memref<128x512xf32, #tpu.memory_space<vmem>> -> memref<32x512xf32, #tpu.memory_space<vmem>>
      tpu.wait_dma2 semaphore(%dma_wait3A_568 : memref<!tpu.dma_semaphore, #tpu.memory_space<semaphore_mem>>) src(%dma_wait3A_573 : memref<32x512xf32, #tpu.memory_space<vmem>>) dst(%dma_wait3A_570 : memref<32x512xf32, #tpu.memory_space<hbm>>)
      %add3A_574 = arith.constant 8 : i32
      %add3A_575 = arith.addi %add3A_373, %add3A_574 : i32
      %add3A_576 = arith.constant 0 : i32
      %add3A_577 = arith.addi %add3A_575, %add3A_576 : i32
      %mul3A_578 = arith.constant 16 : i32
      %mul3A_579 = arith.muli %add3A_577, %mul3A_578 : i32
      %dma_start3A_580 = arith.constant 0 : i32
      %dma_start3A_581 = arith.constant 0 : i32
      %dma_start3A_582 = tpu.memref_slice %arg6[%dma_start3A_580, %dma_start3A_581] : memref<128x512xf32, #tpu.memory_space<vmem>> -> memref<16x512xf32, #tpu.memory_space<vmem>>
      %dma_start3A_583 = tpu.memref_slice %arg5[%mul3A_579] : memref<1024xi32, #tpu.memory_space<vmem>> -> memref<16xi32, #tpu.memory_space<vmem>>
      %dma_start3A_584 = arith.constant 0 : i32
      %dma_start3A_585 = arith.constant 0 : i32
      %dma_start3A_586 = tpu.memref_slice %arg3[%dma_start3A_584, %dma_start3A_585] : memref<50257x512xf32, #tpu.memory_space<hbm>> -> memref<50257x512xf32, #tpu.memory_space<hbm>>
      %dma_start3A_587 = tpu.memref_slice %arg7[%scan3A] : memref<8x!tpu.dma_semaphore, #tpu.memory_space<semaphore_mem>> -> memref<1x!tpu.dma_semaphore, #tpu.memory_space<semaphore_mem>>
      %dma_start3A_588 = tpu.memref_squeeze %dma_start3A_587 : memref<1x!tpu.dma_semaphore, #tpu.memory_space<semaphore_mem>> -> memref<!tpu.dma_semaphore, #tpu.memory_space<semaphore_mem>>
      tpu.enqueue_indirect_dma source(%dma_start3A_586 : memref<50257x512xf32, #tpu.memory_space<hbm>>) target(%dma_start3A_582 : memref<16x512xf32, #tpu.memory_space<vmem>>) offsets(%dma_start3A_583 : memref<16xi32, #tpu.memory_space<vmem>>) semaphore(%dma_start3A_588 : memref<!tpu.dma_semaphore, #tpu.memory_space<semaphore_mem>>)
      %add3A_589 = arith.constant 8 : i32
      %add3A_590 = arith.addi %add3A_373, %add3A_589 : i32
      %add3A_591 = arith.constant 0 : i32
      %add3A_592 = arith.addi %add3A_590, %add3A_591 : i32
      %add3A_593 = arith.constant 1 : i32
      %add3A_594 = arith.addi %add3A_592, %add3A_593 : i32
      %mul3A_595 = arith.constant 16 : i32
      %mul3A_596 = arith.muli %add3A_594, %mul3A_595 : i32
      %dma_start3A_597 = arith.constant 16 : i32
      %dma_start3A_598 = arith.constant 0 : i32
      %dma_start3A_599 = tpu.memref_slice %arg6[%dma_start3A_597, %dma_start3A_598] : memref<128x512xf32, #tpu.memory_space<vmem>> -> memref<16x512xf32, #tpu.memory_space<vmem>>
      %dma_start3A_600 = tpu.memref_slice %arg5[%mul3A_596] : memref<1024xi32, #tpu.memory_space<vmem>> -> memref<16xi32, #tpu.memory_space<vmem>>
      %dma_start3A_601 = arith.constant 0 : i32
      %dma_start3A_602 = arith.constant 0 : i32
      %dma_start3A_603 = tpu.memref_slice %arg3[%dma_start3A_601, %dma_start3A_602] : memref<50257x512xf32, #tpu.memory_space<hbm>> -> memref<50257x512xf32, #tpu.memory_space<hbm>>
      %dma_start3A_604 = tpu.memref_slice %arg7[%scan3A_122] : memref<8x!tpu.dma_semaphore, #tpu.memory_space<semaphore_mem>> -> memref<1x!tpu.dma_semaphore, #tpu.memory_space<semaphore_mem>>
      %dma_start3A_605 = tpu.memref_squeeze %dma_start3A_604 : memref<1x!tpu.dma_semaphore, #tpu.memory_space<semaphore_mem>> -> memref<!tpu.dma_semaphore, #tpu.memory_space<semaphore_mem>>
      tpu.enqueue_indirect_dma source(%dma_start3A_603 : memref<50257x512xf32, #tpu.memory_space<hbm>>) target(%dma_start3A_599 : memref<16x512xf32, #tpu.memory_space<vmem>>) offsets(%dma_start3A_600 : memref<16xi32, #tpu.memory_space<vmem>>) semaphore(%dma_start3A_605 : memref<!tpu.dma_semaphore, #tpu.memory_space<semaphore_mem>>)
      %dma_wait3A_606 = arith.constant 32 : i32
      %dma_wait3A_607 = arith.constant 0 : i32
      %dma_wait3A_608 = tpu.memref_slice %arg6[%dma_wait3A_606, %dma_wait3A_607] : memref<128x512xf32, #tpu.memory_space<vmem>> -> memref<32x512xf32, #tpu.memory_space<vmem>>
      %dma_wait3A_609 = arith.constant 0 : i32
      %dma_wait3A_610 = tpu.memref_slice %arg4[%mul3A_34, %dma_wait3A_609] : memref<32768x512xf32, #tpu.memory_space<hbm>> -> memref<32x512xf32, #tpu.memory_space<hbm>>
      %dma_wait3A_611 = tpu.memref_slice %arg8[%scan3A_126] : memref<4x!tpu.dma_semaphore, #tpu.memory_space<semaphore_mem>> -> memref<1x!tpu.dma_semaphore, #tpu.memory_space<semaphore_mem>>
      %dma_wait3A_612 = tpu.memref_squeeze %dma_wait3A_611 : memref<1x!tpu.dma_semaphore, #tpu.memory_space<semaphore_mem>> -> memref<!tpu.dma_semaphore, #tpu.memory_space<semaphore_mem>>
      %dma_wait3A_613 = arith.constant 0 : i32
      %dma_wait3A_614 = tpu.memref_slice %arg4[%mul3A_34, %dma_wait3A_613] : memref<32768x512xf32, #tpu.memory_space<hbm>> -> memref<32x512xf32, #tpu.memory_space<hbm>>
      %dma_wait3A_615 = arith.constant 32 : i32
      %dma_wait3A_616 = arith.constant 0 : i32
      %dma_wait3A_617 = tpu.memref_slice %arg6[%dma_wait3A_615, %dma_wait3A_616] : memref<128x512xf32, #tpu.memory_space<vmem>> -> memref<32x512xf32, #tpu.memory_space<vmem>>
      tpu.wait_dma2 semaphore(%dma_wait3A_612 : memref<!tpu.dma_semaphore, #tpu.memory_space<semaphore_mem>>) src(%dma_wait3A_617 : memref<32x512xf32, #tpu.memory_space<vmem>>) dst(%dma_wait3A_614 : memref<32x512xf32, #tpu.memory_space<hbm>>)
      %add3A_618 = arith.constant 8 : i32
      %add3A_619 = arith.addi %add3A_373, %add3A_618 : i32
      %add3A_620 = arith.constant 2 : i32
      %add3A_621 = arith.addi %add3A_619, %add3A_620 : i32
      %mul3A_622 = arith.constant 16 : i32
      %mul3A_623 = arith.muli %add3A_621, %mul3A_622 : i32
      %dma_start3A_624 = arith.constant 32 : i32
      %dma_start3A_625 = arith.constant 0 : i32
      %dma_start3A_626 = tpu.memref_slice %arg6[%dma_start3A_624, %dma_start3A_625] : memref<128x512xf32, #tpu.memory_space<vmem>> -> memref<16x512xf32, #tpu.memory_space<vmem>>
      %dma_start3A_627 = tpu.memref_slice %arg5[%mul3A_623] : memref<1024xi32, #tpu.memory_space<vmem>> -> memref<16xi32, #tpu.memory_space<vmem>>
      %dma_start3A_628 = arith.constant 0 : i32
      %dma_start3A_629 = arith.constant 0 : i32
      %dma_start3A_630 = tpu.memref_slice %arg3[%dma_start3A_628, %dma_start3A_629] : memref<50257x512xf32, #tpu.memory_space<hbm>> -> memref<50257x512xf32, #tpu.memory_space<hbm>>
      %dma_start3A_631 = tpu.memref_slice %arg7[%scan3A_124] : memref<8x!tpu.dma_semaphore, #tpu.memory_space<semaphore_mem>> -> memref<1x!tpu.dma_semaphore, #tpu.memory_space<semaphore_mem>>
      %dma_start3A_632 = tpu.memref_squeeze %dma_start3A_631 : memref<1x!tpu.dma_semaphore, #tpu.memory_space<semaphore_mem>> -> memref<!tpu.dma_semaphore, #tpu.memory_space<semaphore_mem>>
      tpu.enqueue_indirect_dma source(%dma_start3A_630 : memref<50257x512xf32, #tpu.memory_space<hbm>>) target(%dma_start3A_626 : memref<16x512xf32, #tpu.memory_space<vmem>>) offsets(%dma_start3A_627 : memref<16xi32, #tpu.memory_space<vmem>>) semaphore(%dma_start3A_632 : memref<!tpu.dma_semaphore, #tpu.memory_space<semaphore_mem>>)
      %add3A_633 = arith.constant 8 : i32
      %add3A_634 = arith.addi %add3A_373, %add3A_633 : i32
      %add3A_635 = arith.constant 2 : i32
      %add3A_636 = arith.addi %add3A_634, %add3A_635 : i32
      %add3A_637 = arith.constant 1 : i32
      %add3A_638 = arith.addi %add3A_636, %add3A_637 : i32
      %mul3A_639 = arith.constant 16 : i32
      %mul3A_640 = arith.muli %add3A_638, %mul3A_639 : i32
      %dma_start3A_641 = arith.constant 48 : i32
      %dma_start3A_642 = arith.constant 0 : i32
      %dma_start3A_643 = tpu.memref_slice %arg6[%dma_start3A_641, %dma_start3A_642] : memref<128x512xf32, #tpu.memory_space<vmem>> -> memref<16x512xf32, #tpu.memory_space<vmem>>
      %dma_start3A_644 = tpu.memref_slice %arg5[%mul3A_640] : memref<1024xi32, #tpu.memory_space<vmem>> -> memref<16xi32, #tpu.memory_space<vmem>>
      %dma_start3A_645 = arith.constant 0 : i32
      %dma_start3A_646 = arith.constant 0 : i32
      %dma_start3A_647 = tpu.memref_slice %arg3[%dma_start3A_645, %dma_start3A_646] : memref<50257x512xf32, #tpu.memory_space<hbm>> -> memref<50257x512xf32, #tpu.memory_space<hbm>>
      %dma_start3A_648 = tpu.memref_slice %arg7[%scan3A_125] : memref<8x!tpu.dma_semaphore, #tpu.memory_space<semaphore_mem>> -> memref<1x!tpu.dma_semaphore, #tpu.memory_space<semaphore_mem>>
      %dma_start3A_649 = tpu.memref_squeeze %dma_start3A_648 : memref<1x!tpu.dma_semaphore, #tpu.memory_space<semaphore_mem>> -> memref<!tpu.dma_semaphore, #tpu.memory_space<semaphore_mem>>
      tpu.enqueue_indirect_dma source(%dma_start3A_647 : memref<50257x512xf32, #tpu.memory_space<hbm>>) target(%dma_start3A_643 : memref<16x512xf32, #tpu.memory_space<vmem>>) offsets(%dma_start3A_644 : memref<16xi32, #tpu.memory_space<vmem>>) semaphore(%dma_start3A_649 : memref<!tpu.dma_semaphore, #tpu.memory_space<semaphore_mem>>)
      %dma_wait3A_650 = arith.constant 64 : i32
      %dma_wait3A_651 = arith.constant 0 : i32
      %dma_wait3A_652 = tpu.memref_slice %arg6[%dma_wait3A_650, %dma_wait3A_651] : memref<128x512xf32, #tpu.memory_space<vmem>> -> memref<32x512xf32, #tpu.memory_space<vmem>>
      %dma_wait3A_653 = arith.constant 0 : i32
      %dma_wait3A_654 = tpu.memref_slice %arg4[%mul3A_34, %dma_wait3A_653] : memref<32768x512xf32, #tpu.memory_space<hbm>> -> memref<32x512xf32, #tpu.memory_space<hbm>>
      %dma_wait3A_655 = tpu.memref_slice %arg8[%scan3A_129] : memref<4x!tpu.dma_semaphore, #tpu.memory_space<semaphore_mem>> -> memref<1x!tpu.dma_semaphore, #tpu.memory_space<semaphore_mem>>
      %dma_wait3A_656 = tpu.memref_squeeze %dma_wait3A_655 : memref<1x!tpu.dma_semaphore, #tpu.memory_space<semaphore_mem>> -> memref<!tpu.dma_semaphore, #tpu.memory_space<semaphore_mem>>
      %dma_wait3A_657 = arith.constant 0 : i32
      %dma_wait3A_658 = tpu.memref_slice %arg4[%mul3A_34, %dma_wait3A_657] : memref<32768x512xf32, #tpu.memory_space<hbm>> -> memref<32x512xf32, #tpu.memory_space<hbm>>
      %dma_wait3A_659 = arith.constant 64 : i32
      %dma_wait3A_660 = arith.constant 0 : i32
      %dma_wait3A_661 = tpu.memref_slice %arg6[%dma_wait3A_659, %dma_wait3A_660] : memref<128x512xf32, #tpu.memory_space<vmem>> -> memref<32x512xf32, #tpu.memory_space<vmem>>
      tpu.wait_dma2 semaphore(%dma_wait3A_656 : memref<!tpu.dma_semaphore, #tpu.memory_space<semaphore_mem>>) src(%dma_wait3A_661 : memref<32x512xf32, #tpu.memory_space<vmem>>) dst(%dma_wait3A_658 : memref<32x512xf32, #tpu.memory_space<hbm>>)
      %add3A_662 = arith.constant 8 : i32
      %add3A_663 = arith.addi %add3A_373, %add3A_662 : i32
      %add3A_664 = arith.constant 4 : i32
      %add3A_665 = arith.addi %add3A_663, %add3A_664 : i32
      %mul3A_666 = arith.constant 16 : i32
      %mul3A_667 = arith.muli %add3A_665, %mul3A_666 : i32
      %dma_start3A_668 = arith.constant 64 : i32
      %dma_start3A_669 = arith.constant 0 : i32
      %dma_start3A_670 = tpu.memref_slice %arg6[%dma_start3A_668, %dma_start3A_669] : memref<128x512xf32, #tpu.memory_space<vmem>> -> memref<16x512xf32, #tpu.memory_space<vmem>>
      %dma_start3A_671 = tpu.memref_slice %arg5[%mul3A_667] : memref<1024xi32, #tpu.memory_space<vmem>> -> memref<16xi32, #tpu.memory_space<vmem>>
      %dma_start3A_672 = arith.constant 0 : i32
      %dma_start3A_673 = arith.constant 0 : i32
      %dma_start3A_674 = tpu.memref_slice %arg3[%dma_start3A_672, %dma_start3A_673] : memref<50257x512xf32, #tpu.memory_space<hbm>> -> memref<50257x512xf32, #tpu.memory_space<hbm>>
      %dma_start3A_675 = tpu.memref_slice %arg7[%scan3A_127] : memref<8x!tpu.dma_semaphore, #tpu.memory_space<semaphore_mem>> -> memref<1x!tpu.dma_semaphore, #tpu.memory_space<semaphore_mem>>
      %dma_start3A_676 = tpu.memref_squeeze %dma_start3A_675 : memref<1x!tpu.dma_semaphore, #tpu.memory_space<semaphore_mem>> -> memref<!tpu.dma_semaphore, #tpu.memory_space<semaphore_mem>>
      tpu.enqueue_indirect_dma source(%dma_start3A_674 : memref<50257x512xf32, #tpu.memory_space<hbm>>) target(%dma_start3A_670 : memref<16x512xf32, #tpu.memory_space<vmem>>) offsets(%dma_start3A_671 : memref<16xi32, #tpu.memory_space<vmem>>) semaphore(%dma_start3A_676 : memref<!tpu.dma_semaphore, #tpu.memory_space<semaphore_mem>>)
      %add3A_677 = arith.constant 8 : i32
      %add3A_678 = arith.addi %add3A_373, %add3A_677 : i32
      %add3A_679 = arith.constant 4 : i32
      %add3A_680 = arith.addi %add3A_678, %add3A_679 : i32
      %add3A_681 = arith.constant 1 : i32
      %add3A_682 = arith.addi %add3A_680, %add3A_681 : i32
      %mul3A_683 = arith.constant 16 : i32
      %mul3A_684 = arith.muli %add3A_682, %mul3A_683 : i32
      %dma_start3A_685 = arith.constant 80 : i32
      %dma_start3A_686 = arith.constant 0 : i32
      %dma_start3A_687 = tpu.memref_slice %arg6[%dma_start3A_685, %dma_start3A_686] : memref<128x512xf32, #tpu.memory_space<vmem>> -> memref<16x512xf32, #tpu.memory_space<vmem>>
      %dma_start3A_688 = tpu.memref_slice %arg5[%mul3A_684] : memref<1024xi32, #tpu.memory_space<vmem>> -> memref<16xi32, #tpu.memory_space<vmem>>
      %dma_start3A_689 = arith.constant 0 : i32
      %dma_start3A_690 = arith.constant 0 : i32
      %dma_start3A_691 = tpu.memref_slice %arg3[%dma_start3A_689, %dma_start3A_690] : memref<50257x512xf32, #tpu.memory_space<hbm>> -> memref<50257x512xf32, #tpu.memory_space<hbm>>
      %dma_start3A_692 = tpu.memref_slice %arg7[%scan3A_128] : memref<8x!tpu.dma_semaphore, #tpu.memory_space<semaphore_mem>> -> memref<1x!tpu.dma_semaphore, #tpu.memory_space<semaphore_mem>>
      %dma_start3A_693 = tpu.memref_squeeze %dma_start3A_692 : memref<1x!tpu.dma_semaphore, #tpu.memory_space<semaphore_mem>> -> memref<!tpu.dma_semaphore, #tpu.memory_space<semaphore_mem>>
      tpu.enqueue_indirect_dma source(%dma_start3A_691 : memref<50257x512xf32, #tpu.memory_space<hbm>>) target(%dma_start3A_687 : memref<16x512xf32, #tpu.memory_space<vmem>>) offsets(%dma_start3A_688 : memref<16xi32, #tpu.memory_space<vmem>>) semaphore(%dma_start3A_693 : memref<!tpu.dma_semaphore, #tpu.memory_space<semaphore_mem>>)
      %dma_wait3A_694 = arith.constant 96 : i32
      %dma_wait3A_695 = arith.constant 0 : i32
      %dma_wait3A_696 = tpu.memref_slice %arg6[%dma_wait3A_694, %dma_wait3A_695] : memref<128x512xf32, #tpu.memory_space<vmem>> -> memref<32x512xf32, #tpu.memory_space<vmem>>
      %dma_wait3A_697 = arith.constant 0 : i32
      %dma_wait3A_698 = tpu.memref_slice %arg4[%mul3A_34, %dma_wait3A_697] : memref<32768x512xf32, #tpu.memory_space<hbm>> -> memref<32x512xf32, #tpu.memory_space<hbm>>
      %dma_wait3A_699 = tpu.memref_slice %arg8[%scan3A_132] : memref<4x!tpu.dma_semaphore, #tpu.memory_space<semaphore_mem>> -> memref<1x!tpu.dma_semaphore, #tpu.memory_space<semaphore_mem>>
      %dma_wait3A_700 = tpu.memref_squeeze %dma_wait3A_699 : memref<1x!tpu.dma_semaphore, #tpu.memory_space<semaphore_mem>> -> memref<!tpu.dma_semaphore, #tpu.memory_space<semaphore_mem>>
      %dma_wait3A_701 = arith.constant 0 : i32
      %dma_wait3A_702 = tpu.memref_slice %arg4[%mul3A_34, %dma_wait3A_701] : memref<32768x512xf32, #tpu.memory_space<hbm>> -> memref<32x512xf32, #tpu.memory_space<hbm>>
      %dma_wait3A_703 = arith.constant 96 : i32
      %dma_wait3A_704 = arith.constant 0 : i32
      %dma_wait3A_705 = tpu.memref_slice %arg6[%dma_wait3A_703, %dma_wait3A_704] : memref<128x512xf32, #tpu.memory_space<vmem>> -> memref<32x512xf32, #tpu.memory_space<vmem>>
      tpu.wait_dma2 semaphore(%dma_wait3A_700 : memref<!tpu.dma_semaphore, #tpu.memory_space<semaphore_mem>>) src(%dma_wait3A_705 : memref<32x512xf32, #tpu.memory_space<vmem>>) dst(%dma_wait3A_702 : memref<32x512xf32, #tpu.memory_space<hbm>>)
      %add3A_706 = arith.constant 8 : i32
      %add3A_707 = arith.addi %add3A_373, %add3A_706 : i32
      %add3A_708 = arith.constant 6 : i32
      %add3A_709 = arith.addi %add3A_707, %add3A_708 : i32
      %mul3A_710 = arith.constant 16 : i32
      %mul3A_711 = arith.muli %add3A_709, %mul3A_710 : i32
      %dma_start3A_712 = arith.constant 96 : i32
      %dma_start3A_713 = arith.constant 0 : i32
      %dma_start3A_714 = tpu.memref_slice %arg6[%dma_start3A_712, %dma_start3A_713] : memref<128x512xf32, #tpu.memory_space<vmem>> -> memref<16x512xf32, #tpu.memory_space<vmem>>
      %dma_start3A_715 = tpu.memref_slice %arg5[%mul3A_711] : memref<1024xi32, #tpu.memory_space<vmem>> -> memref<16xi32, #tpu.memory_space<vmem>>
      %dma_start3A_716 = arith.constant 0 : i32
      %dma_start3A_717 = arith.constant 0 : i32
      %dma_start3A_718 = tpu.memref_slice %arg3[%dma_start3A_716, %dma_start3A_717] : memref<50257x512xf32, #tpu.memory_space<hbm>> -> memref<50257x512xf32, #tpu.memory_space<hbm>>
      %dma_start3A_719 = tpu.memref_slice %arg7[%scan3A_130] : memref<8x!tpu.dma_semaphore, #tpu.memory_space<semaphore_mem>> -> memref<1x!tpu.dma_semaphore, #tpu.memory_space<semaphore_mem>>
      %dma_start3A_720 = tpu.memref_squeeze %dma_start3A_719 : memref<1x!tpu.dma_semaphore, #tpu.memory_space<semaphore_mem>> -> memref<!tpu.dma_semaphore, #tpu.memory_space<semaphore_mem>>
      tpu.enqueue_indirect_dma source(%dma_start3A_718 : memref<50257x512xf32, #tpu.memory_space<hbm>>) target(%dma_start3A_714 : memref<16x512xf32, #tpu.memory_space<vmem>>) offsets(%dma_start3A_715 : memref<16xi32, #tpu.memory_space<vmem>>) semaphore(%dma_start3A_720 : memref<!tpu.dma_semaphore, #tpu.memory_space<semaphore_mem>>)
      %add3A_721 = arith.constant 8 : i32
      %add3A_722 = arith.addi %add3A_373, %add3A_721 : i32
      %add3A_723 = arith.constant 6 : i32
      %add3A_724 = arith.addi %add3A_722, %add3A_723 : i32
      %add3A_725 = arith.constant 1 : i32
      %add3A_726 = arith.addi %add3A_724, %add3A_725 : i32
      %mul3A_727 = arith.constant 16 : i32
      %mul3A_728 = arith.muli %add3A_726, %mul3A_727 : i32
      %dma_start3A_729 = arith.constant 112 : i32
      %dma_start3A_730 = arith.constant 0 : i32
      %dma_start3A_731 = tpu.memref_slice %arg6[%dma_start3A_729, %dma_start3A_730] : memref<128x512xf32, #tpu.memory_space<vmem>> -> memref<16x512xf32, #tpu.memory_space<vmem>>
      %dma_start3A_732 = tpu.memref_slice %arg5[%mul3A_728] : memref<1024xi32, #tpu.memory_space<vmem>> -> memref<16xi32, #tpu.memory_space<vmem>>
      %dma_start3A_733 = arith.constant 0 : i32
      %dma_start3A_734 = arith.constant 0 : i32
      %dma_start3A_735 = tpu.memref_slice %arg3[%dma_start3A_733, %dma_start3A_734] : memref<50257x512xf32, #tpu.memory_space<hbm>> -> memref<50257x512xf32, #tpu.memory_space<hbm>>
      %dma_start3A_736 = tpu.memref_slice %arg7[%scan3A_131] : memref<8x!tpu.dma_semaphore, #tpu.memory_space<semaphore_mem>> -> memref<1x!tpu.dma_semaphore, #tpu.memory_space<semaphore_mem>>
      %dma_start3A_737 = tpu.memref_squeeze %dma_start3A_736 : memref<1x!tpu.dma_semaphore, #tpu.memory_space<semaphore_mem>> -> memref<!tpu.dma_semaphore, #tpu.memory_space<semaphore_mem>>
      tpu.enqueue_indirect_dma source(%dma_start3A_735 : memref<50257x512xf32, #tpu.memory_space<hbm>>) target(%dma_start3A_731 : memref<16x512xf32, #tpu.memory_space<vmem>>) offsets(%dma_start3A_732 : memref<16xi32, #tpu.memory_space<vmem>>) semaphore(%dma_start3A_737 : memref<!tpu.dma_semaphore, #tpu.memory_space<semaphore_mem>>)
    }
    %scan3A_137 = arith.constant 7 : i32
    %dma_wait3A = arith.constant 0 : i32
    %dma_wait3A_138 = arith.constant 0 : i32
    %dma_wait3A_139 = arith.constant 0 : i32
    %dma_wait3A_140 = tpu.memref_slice %arg6[%dma_wait3A_138, %dma_wait3A_139] : memref<128x512xf32, #tpu.memory_space<vmem>> -> memref<16x512xf32, #tpu.memory_space<vmem>>
    %dma_wait3A_141 = arith.constant 0 : i32
    %dma_wait3A_142 = arith.constant 0 : i32
    %dma_wait3A_143 = tpu.memref_slice %arg3[%dma_wait3A_141, %dma_wait3A_142] : memref<50257x512xf32, #tpu.memory_space<hbm>> -> memref<16x512xf32, #tpu.memory_space<hbm>>
    %dma_wait3A_144 = tpu.memref_slice %arg7[%dma_wait3A] : memref<8x!tpu.dma_semaphore, #tpu.memory_space<semaphore_mem>> -> memref<1x!tpu.dma_semaphore, #tpu.memory_space<semaphore_mem>>
    %dma_wait3A_145 = tpu.memref_squeeze %dma_wait3A_144 : memref<1x!tpu.dma_semaphore, #tpu.memory_space<semaphore_mem>> -> memref<!tpu.dma_semaphore, #tpu.memory_space<semaphore_mem>>
    %dma_wait3A_146 = arith.constant 0 : i32
    %dma_wait3A_147 = arith.constant 0 : i32
    %dma_wait3A_148 = tpu.memref_slice %arg6[%dma_wait3A_146, %dma_wait3A_147] : memref<128x512xf32, #tpu.memory_space<vmem>> -> memref<16x512xf32, #tpu.memory_space<vmem>>
    %dma_wait3A_149 = arith.constant 0 : i32
    %dma_wait3A_150 = arith.constant 0 : i32
    %dma_wait3A_151 = tpu.memref_slice %arg3[%dma_wait3A_149, %dma_wait3A_150] : memref<50257x512xf32, #tpu.memory_space<hbm>> -> memref<16x512xf32, #tpu.memory_space<hbm>>
    tpu.wait_dma2 semaphore(%dma_wait3A_145 : memref<!tpu.dma_semaphore, #tpu.memory_space<semaphore_mem>>) src(%dma_wait3A_151 : memref<16x512xf32, #tpu.memory_space<hbm>>) dst(%dma_wait3A_148 : memref<16x512xf32, #tpu.memory_space<vmem>>)
    %dma_wait3A_152 = arith.constant 1 : i32
    %dma_wait3A_153 = arith.constant 16 : i32
    %dma_wait3A_154 = arith.constant 0 : i32
    %dma_wait3A_155 = tpu.memref_slice %arg6[%dma_wait3A_153, %dma_wait3A_154] : memref<128x512xf32, #tpu.memory_space<vmem>> -> memref<16x512xf32, #tpu.memory_space<vmem>>
    %dma_wait3A_156 = arith.constant 0 : i32
    %dma_wait3A_157 = arith.constant 0 : i32
    %dma_wait3A_158 = tpu.memref_slice %arg3[%dma_wait3A_156, %dma_wait3A_157] : memref<50257x512xf32, #tpu.memory_space<hbm>> -> memref<16x512xf32, #tpu.memory_space<hbm>>
    %dma_wait3A_159 = tpu.memref_slice %arg7[%dma_wait3A_152] : memref<8x!tpu.dma_semaphore, #tpu.memory_space<semaphore_mem>> -> memref<1x!tpu.dma_semaphore, #tpu.memory_space<semaphore_mem>>
    %dma_wait3A_160 = tpu.memref_squeeze %dma_wait3A_159 : memref<1x!tpu.dma_semaphore, #tpu.memory_space<semaphore_mem>> -> memref<!tpu.dma_semaphore, #tpu.memory_space<semaphore_mem>>
    %dma_wait3A_161 = arith.constant 16 : i32
    %dma_wait3A_162 = arith.constant 0 : i32
    %dma_wait3A_163 = tpu.memref_slice %arg6[%dma_wait3A_161, %dma_wait3A_162] : memref<128x512xf32, #tpu.memory_space<vmem>> -> memref<16x512xf32, #tpu.memory_space<vmem>>
    %dma_wait3A_164 = arith.constant 0 : i32
    %dma_wait3A_165 = arith.constant 0 : i32
    %dma_wait3A_166 = tpu.memref_slice %arg3[%dma_wait3A_164, %dma_wait3A_165] : memref<50257x512xf32, #tpu.memory_space<hbm>> -> memref<16x512xf32, #tpu.memory_space<hbm>>
    tpu.wait_dma2 semaphore(%dma_wait3A_160 : memref<!tpu.dma_semaphore, #tpu.memory_space<semaphore_mem>>) src(%dma_wait3A_166 : memref<16x512xf32, #tpu.memory_space<hbm>>) dst(%dma_wait3A_163 : memref<16x512xf32, #tpu.memory_space<vmem>>)
    %add3A_167 = arith.constant 896 : i32
    %add3A_168 = arith.addi %mul3A_34, %add3A_167 : i32
    %dma_start3A_169 = arith.constant 0 : i32
    %dma_start3A_170 = arith.constant 0 : i32
    %dma_start3A_171 = arith.constant 0 : i32
    %dma_start3A_172 = tpu.memref_slice %arg6[%dma_start3A_170, %dma_start3A_171] : memref<128x512xf32, #tpu.memory_space<vmem>> -> memref<32x512xf32, #tpu.memory_space<vmem>>
    %dma_start3A_173 = arith.constant 0 : i32
    %dma_start3A_174 = tpu.memref_slice %arg4[%add3A_168, %dma_start3A_173] : memref<32768x512xf32, #tpu.memory_space<hbm>> -> memref<32x512xf32, #tpu.memory_space<hbm>>
    %dma_start3A_175 = tpu.memref_slice %arg8[%dma_start3A_169] : memref<4x!tpu.dma_semaphore, #tpu.memory_space<semaphore_mem>> -> memref<1x!tpu.dma_semaphore, #tpu.memory_space<semaphore_mem>>
    %dma_start3A_176 = tpu.memref_squeeze %dma_start3A_175 : memref<1x!tpu.dma_semaphore, #tpu.memory_space<semaphore_mem>> -> memref<!tpu.dma_semaphore, #tpu.memory_space<semaphore_mem>>
    %dma_start3A_177 = arith.constant 0 : i32
    %dma_start3A_178 = tpu.memref_slice %arg4[%add3A_168, %dma_start3A_177] : memref<32768x512xf32, #tpu.memory_space<hbm>> -> memref<32x512xf32, #tpu.memory_space<hbm>>
    %dma_start3A_179 = arith.constant 0 : i32
    %dma_start3A_180 = arith.constant 0 : i32
    %dma_start3A_181 = tpu.memref_slice %arg6[%dma_start3A_179, %dma_start3A_180] : memref<128x512xf32, #tpu.memory_space<vmem>> -> memref<32x512xf32, #tpu.memory_space<vmem>>
    tpu.enqueue_dma source(%dma_start3A_181 : memref<32x512xf32, #tpu.memory_space<vmem>>) target(%dma_start3A_178 : memref<32x512xf32, #tpu.memory_space<hbm>>) target_semaphore(%dma_start3A_176 : memref<!tpu.dma_semaphore, #tpu.memory_space<semaphore_mem>>)
    %dma_wait3A_182 = arith.constant 2 : i32
    %dma_wait3A_183 = arith.constant 32 : i32
    %dma_wait3A_184 = arith.constant 0 : i32
    %dma_wait3A_185 = tpu.memref_slice %arg6[%dma_wait3A_183, %dma_wait3A_184] : memref<128x512xf32, #tpu.memory_space<vmem>> -> memref<16x512xf32, #tpu.memory_space<vmem>>
    %dma_wait3A_186 = arith.constant 0 : i32
    %dma_wait3A_187 = arith.constant 0 : i32
    %dma_wait3A_188 = tpu.memref_slice %arg3[%dma_wait3A_186, %dma_wait3A_187] : memref<50257x512xf32, #tpu.memory_space<hbm>> -> memref<16x512xf32, #tpu.memory_space<hbm>>
    %dma_wait3A_189 = tpu.memref_slice %arg7[%dma_wait3A_182] : memref<8x!tpu.dma_semaphore, #tpu.memory_space<semaphore_mem>> -> memref<1x!tpu.dma_semaphore, #tpu.memory_space<semaphore_mem>>
    %dma_wait3A_190 = tpu.memref_squeeze %dma_wait3A_189 : memref<1x!tpu.dma_semaphore, #tpu.memory_space<semaphore_mem>> -> memref<!tpu.dma_semaphore, #tpu.memory_space<semaphore_mem>>
    %dma_wait3A_191 = arith.constant 32 : i32
    %dma_wait3A_192 = arith.constant 0 : i32
    %dma_wait3A_193 = tpu.memref_slice %arg6[%dma_wait3A_191, %dma_wait3A_192] : memref<128x512xf32, #tpu.memory_space<vmem>> -> memref<16x512xf32, #tpu.memory_space<vmem>>
    %dma_wait3A_194 = arith.constant 0 : i32
    %dma_wait3A_195 = arith.constant 0 : i32
    %dma_wait3A_196 = tpu.memref_slice %arg3[%dma_wait3A_194, %dma_wait3A_195] : memref<50257x512xf32, #tpu.memory_space<hbm>> -> memref<16x512xf32, #tpu.memory_space<hbm>>
    tpu.wait_dma2 semaphore(%dma_wait3A_190 : memref<!tpu.dma_semaphore, #tpu.memory_space<semaphore_mem>>) src(%dma_wait3A_196 : memref<16x512xf32, #tpu.memory_space<hbm>>) dst(%dma_wait3A_193 : memref<16x512xf32, #tpu.memory_space<vmem>>)
    %dma_wait3A_197 = arith.constant 3 : i32
    %dma_wait3A_198 = arith.constant 48 : i32
    %dma_wait3A_199 = arith.constant 0 : i32
    %dma_wait3A_200 = tpu.memref_slice %arg6[%dma_wait3A_198, %dma_wait3A_199] : memref<128x512xf32, #tpu.memory_space<vmem>> -> memref<16x512xf32, #tpu.memory_space<vmem>>
    %dma_wait3A_201 = arith.constant 0 : i32
    %dma_wait3A_202 = arith.constant 0 : i32
    %dma_wait3A_203 = tpu.memref_slice %arg3[%dma_wait3A_201, %dma_wait3A_202] : memref<50257x512xf32, #tpu.memory_space<hbm>> -> memref<16x512xf32, #tpu.memory_space<hbm>>
    %dma_wait3A_204 = tpu.memref_slice %arg7[%dma_wait3A_197] : memref<8x!tpu.dma_semaphore, #tpu.memory_space<semaphore_mem>> -> memref<1x!tpu.dma_semaphore, #tpu.memory_space<semaphore_mem>>
    %dma_wait3A_205 = tpu.memref_squeeze %dma_wait3A_204 : memref<1x!tpu.dma_semaphore, #tpu.memory_space<semaphore_mem>> -> memref<!tpu.dma_semaphore, #tpu.memory_space<semaphore_mem>>
    %dma_wait3A_206 = arith.constant 48 : i32
    %dma_wait3A_207 = arith.constant 0 : i32
    %dma_wait3A_208 = tpu.memref_slice %arg6[%dma_wait3A_206, %dma_wait3A_207] : memref<128x512xf32, #tpu.memory_space<vmem>> -> memref<16x512xf32, #tpu.memory_space<vmem>>
    %dma_wait3A_209 = arith.constant 0 : i32
    %dma_wait3A_210 = arith.constant 0 : i32
    %dma_wait3A_211 = tpu.memref_slice %arg3[%dma_wait3A_209, %dma_wait3A_210] : memref<50257x512xf32, #tpu.memory_space<hbm>> -> memref<16x512xf32, #tpu.memory_space<hbm>>
    tpu.wait_dma2 semaphore(%dma_wait3A_205 : memref<!tpu.dma_semaphore, #tpu.memory_space<semaphore_mem>>) src(%dma_wait3A_211 : memref<16x512xf32, #tpu.memory_space<hbm>>) dst(%dma_wait3A_208 : memref<16x512xf32, #tpu.memory_space<vmem>>)
    %add3A_212 = arith.constant 928 : i32
    %add3A_213 = arith.addi %mul3A_34, %add3A_212 : i32
    %dma_start3A_214 = arith.constant 1 : i32
    %dma_start3A_215 = arith.constant 32 : i32
    %dma_start3A_216 = arith.constant 0 : i32
    %dma_start3A_217 = tpu.memref_slice %arg6[%dma_start3A_215, %dma_start3A_216] : memref<128x512xf32, #tpu.memory_space<vmem>> -> memref<32x512xf32, #tpu.memory_space<vmem>>
    %dma_start3A_218 = arith.constant 0 : i32
    %dma_start3A_219 = tpu.memref_slice %arg4[%add3A_213, %dma_start3A_218] : memref<32768x512xf32, #tpu.memory_space<hbm>> -> memref<32x512xf32, #tpu.memory_space<hbm>>
    %dma_start3A_220 = tpu.memref_slice %arg8[%dma_start3A_214] : memref<4x!tpu.dma_semaphore, #tpu.memory_space<semaphore_mem>> -> memref<1x!tpu.dma_semaphore, #tpu.memory_space<semaphore_mem>>
    %dma_start3A_221 = tpu.memref_squeeze %dma_start3A_220 : memref<1x!tpu.dma_semaphore, #tpu.memory_space<semaphore_mem>> -> memref<!tpu.dma_semaphore, #tpu.memory_space<semaphore_mem>>
    %dma_start3A_222 = arith.constant 0 : i32
    %dma_start3A_223 = tpu.memref_slice %arg4[%add3A_213, %dma_start3A_222] : memref<32768x512xf32, #tpu.memory_space<hbm>> -> memref<32x512xf32, #tpu.memory_space<hbm>>
    %dma_start3A_224 = arith.constant 32 : i32
    %dma_start3A_225 = arith.constant 0 : i32
    %dma_start3A_226 = tpu.memref_slice %arg6[%dma_start3A_224, %dma_start3A_225] : memref<128x512xf32, #tpu.memory_space<vmem>> -> memref<32x512xf32, #tpu.memory_space<vmem>>
    tpu.enqueue_dma source(%dma_start3A_226 : memref<32x512xf32, #tpu.memory_space<vmem>>) target(%dma_start3A_223 : memref<32x512xf32, #tpu.memory_space<hbm>>) target_semaphore(%dma_start3A_221 : memref<!tpu.dma_semaphore, #tpu.memory_space<semaphore_mem>>)
    %dma_wait3A_227 = arith.constant 4 : i32
    %dma_wait3A_228 = arith.constant 64 : i32
    %dma_wait3A_229 = arith.constant 0 : i32
    %dma_wait3A_230 = tpu.memref_slice %arg6[%dma_wait3A_228, %dma_wait3A_229] : memref<128x512xf32, #tpu.memory_space<vmem>> -> memref<16x512xf32, #tpu.memory_space<vmem>>
    %dma_wait3A_231 = arith.constant 0 : i32
    %dma_wait3A_232 = arith.constant 0 : i32
    %dma_wait3A_233 = tpu.memref_slice %arg3[%dma_wait3A_231, %dma_wait3A_232] : memref<50257x512xf32, #tpu.memory_space<hbm>> -> memref<16x512xf32, #tpu.memory_space<hbm>>
    %dma_wait3A_234 = tpu.memref_slice %arg7[%dma_wait3A_227] : memref<8x!tpu.dma_semaphore, #tpu.memory_space<semaphore_mem>> -> memref<1x!tpu.dma_semaphore, #tpu.memory_space<semaphore_mem>>
    %dma_wait3A_235 = tpu.memref_squeeze %dma_wait3A_234 : memref<1x!tpu.dma_semaphore, #tpu.memory_space<semaphore_mem>> -> memref<!tpu.dma_semaphore, #tpu.memory_space<semaphore_mem>>
    %dma_wait3A_236 = arith.constant 64 : i32
    %dma_wait3A_237 = arith.constant 0 : i32
    %dma_wait3A_238 = tpu.memref_slice %arg6[%dma_wait3A_236, %dma_wait3A_237] : memref<128x512xf32, #tpu.memory_space<vmem>> -> memref<16x512xf32, #tpu.memory_space<vmem>>
    %dma_wait3A_239 = arith.constant 0 : i32
    %dma_wait3A_240 = arith.constant 0 : i32
    %dma_wait3A_241 = tpu.memref_slice %arg3[%dma_wait3A_239, %dma_wait3A_240] : memref<50257x512xf32, #tpu.memory_space<hbm>> -> memref<16x512xf32, #tpu.memory_space<hbm>>
    tpu.wait_dma2 semaphore(%dma_wait3A_235 : memref<!tpu.dma_semaphore, #tpu.memory_space<semaphore_mem>>) src(%dma_wait3A_241 : memref<16x512xf32, #tpu.memory_space<hbm>>) dst(%dma_wait3A_238 : memref<16x512xf32, #tpu.memory_space<vmem>>)
    %dma_wait3A_242 = arith.constant 5 : i32
    %dma_wait3A_243 = arith.constant 80 : i32
    %dma_wait3A_244 = arith.constant 0 : i32
    %dma_wait3A_245 = tpu.memref_slice %arg6[%dma_wait3A_243, %dma_wait3A_244] : memref<128x512xf32, #tpu.memory_space<vmem>> -> memref<16x512xf32, #tpu.memory_space<vmem>>
    %dma_wait3A_246 = arith.constant 0 : i32
    %dma_wait3A_247 = arith.constant 0 : i32
    %dma_wait3A_248 = tpu.memref_slice %arg3[%dma_wait3A_246, %dma_wait3A_247] : memref<50257x512xf32, #tpu.memory_space<hbm>> -> memref<16x512xf32, #tpu.memory_space<hbm>>
    %dma_wait3A_249 = tpu.memref_slice %arg7[%dma_wait3A_242] : memref<8x!tpu.dma_semaphore, #tpu.memory_space<semaphore_mem>> -> memref<1x!tpu.dma_semaphore, #tpu.memory_space<semaphore_mem>>
    %dma_wait3A_250 = tpu.memref_squeeze %dma_wait3A_249 : memref<1x!tpu.dma_semaphore, #tpu.memory_space<semaphore_mem>> -> memref<!tpu.dma_semaphore, #tpu.memory_space<semaphore_mem>>
    %dma_wait3A_251 = arith.constant 80 : i32
    %dma_wait3A_252 = arith.constant 0 : i32
    %dma_wait3A_253 = tpu.memref_slice %arg6[%dma_wait3A_251, %dma_wait3A_252] : memref<128x512xf32, #tpu.memory_space<vmem>> -> memref<16x512xf32, #tpu.memory_space<vmem>>
    %dma_wait3A_254 = arith.constant 0 : i32
    %dma_wait3A_255 = arith.constant 0 : i32
    %dma_wait3A_256 = tpu.memref_slice %arg3[%dma_wait3A_254, %dma_wait3A_255] : memref<50257x512xf32, #tpu.memory_space<hbm>> -> memref<16x512xf32, #tpu.memory_space<hbm>>
    tpu.wait_dma2 semaphore(%dma_wait3A_250 : memref<!tpu.dma_semaphore, #tpu.memory_space<semaphore_mem>>) src(%dma_wait3A_256 : memref<16x512xf32, #tpu.memory_space<hbm>>) dst(%dma_wait3A_253 : memref<16x512xf32, #tpu.memory_space<vmem>>)
    %add3A_257 = arith.constant 960 : i32
    %add3A_258 = arith.addi %mul3A_34, %add3A_257 : i32
    %dma_start3A_259 = arith.constant 2 : i32
    %dma_start3A_260 = arith.constant 64 : i32
    %dma_start3A_261 = arith.constant 0 : i32
    %dma_start3A_262 = tpu.memref_slice %arg6[%dma_start3A_260, %dma_start3A_261] : memref<128x512xf32, #tpu.memory_space<vmem>> -> memref<32x512xf32, #tpu.memory_space<vmem>>
    %dma_start3A_263 = arith.constant 0 : i32
    %dma_start3A_264 = tpu.memref_slice %arg4[%add3A_258, %dma_start3A_263] : memref<32768x512xf32, #tpu.memory_space<hbm>> -> memref<32x512xf32, #tpu.memory_space<hbm>>
    %dma_start3A_265 = tpu.memref_slice %arg8[%dma_start3A_259] : memref<4x!tpu.dma_semaphore, #tpu.memory_space<semaphore_mem>> -> memref<1x!tpu.dma_semaphore, #tpu.memory_space<semaphore_mem>>
    %dma_start3A_266 = tpu.memref_squeeze %dma_start3A_265 : memref<1x!tpu.dma_semaphore, #tpu.memory_space<semaphore_mem>> -> memref<!tpu.dma_semaphore, #tpu.memory_space<semaphore_mem>>
    %dma_start3A_267 = arith.constant 0 : i32
    %dma_start3A_268 = tpu.memref_slice %arg4[%add3A_258, %dma_start3A_267] : memref<32768x512xf32, #tpu.memory_space<hbm>> -> memref<32x512xf32, #tpu.memory_space<hbm>>
    %dma_start3A_269 = arith.constant 64 : i32
    %dma_start3A_270 = arith.constant 0 : i32
    %dma_start3A_271 = tpu.memref_slice %arg6[%dma_start3A_269, %dma_start3A_270] : memref<128x512xf32, #tpu.memory_space<vmem>> -> memref<32x512xf32, #tpu.memory_space<vmem>>
    tpu.enqueue_dma source(%dma_start3A_271 : memref<32x512xf32, #tpu.memory_space<vmem>>) target(%dma_start3A_268 : memref<32x512xf32, #tpu.memory_space<hbm>>) target_semaphore(%dma_start3A_266 : memref<!tpu.dma_semaphore, #tpu.memory_space<semaphore_mem>>)
    %dma_wait3A_272 = arith.constant 6 : i32
    %dma_wait3A_273 = arith.constant 96 : i32
    %dma_wait3A_274 = arith.constant 0 : i32
    %dma_wait3A_275 = tpu.memref_slice %arg6[%dma_wait3A_273, %dma_wait3A_274] : memref<128x512xf32, #tpu.memory_space<vmem>> -> memref<16x512xf32, #tpu.memory_space<vmem>>
    %dma_wait3A_276 = arith.constant 0 : i32
    %dma_wait3A_277 = arith.constant 0 : i32
    %dma_wait3A_278 = tpu.memref_slice %arg3[%dma_wait3A_276, %dma_wait3A_277] : memref<50257x512xf32, #tpu.memory_space<hbm>> -> memref<16x512xf32, #tpu.memory_space<hbm>>
    %dma_wait3A_279 = tpu.memref_slice %arg7[%dma_wait3A_272] : memref<8x!tpu.dma_semaphore, #tpu.memory_space<semaphore_mem>> -> memref<1x!tpu.dma_semaphore, #tpu.memory_space<semaphore_mem>>
    %dma_wait3A_280 = tpu.memref_squeeze %dma_wait3A_279 : memref<1x!tpu.dma_semaphore, #tpu.memory_space<semaphore_mem>> -> memref<!tpu.dma_semaphore, #tpu.memory_space<semaphore_mem>>
    %dma_wait3A_281 = arith.constant 96 : i32
    %dma_wait3A_282 = arith.constant 0 : i32
    %dma_wait3A_283 = tpu.memref_slice %arg6[%dma_wait3A_281, %dma_wait3A_282] : memref<128x512xf32, #tpu.memory_space<vmem>> -> memref<16x512xf32, #tpu.memory_space<vmem>>
    %dma_wait3A_284 = arith.constant 0 : i32
    %dma_wait3A_285 = arith.constant 0 : i32
    %dma_wait3A_286 = tpu.memref_slice %arg3[%dma_wait3A_284, %dma_wait3A_285] : memref<50257x512xf32, #tpu.memory_space<hbm>> -> memref<16x512xf32, #tpu.memory_space<hbm>>
    tpu.wait_dma2 semaphore(%dma_wait3A_280 : memref<!tpu.dma_semaphore, #tpu.memory_space<semaphore_mem>>) src(%dma_wait3A_286 : memref<16x512xf32, #tpu.memory_space<hbm>>) dst(%dma_wait3A_283 : memref<16x512xf32, #tpu.memory_space<vmem>>)
    %dma_wait3A_287 = arith.constant 7 : i32
    %dma_wait3A_288 = arith.constant 112 : i32
    %dma_wait3A_289 = arith.constant 0 : i32
    %dma_wait3A_290 = tpu.memref_slice %arg6[%dma_wait3A_288, %dma_wait3A_289] : memref<128x512xf32, #tpu.memory_space<vmem>> -> memref<16x512xf32, #tpu.memory_space<vmem>>
    %dma_wait3A_291 = arith.constant 0 : i32
    %dma_wait3A_292 = arith.constant 0 : i32
    %dma_wait3A_293 = tpu.memref_slice %arg3[%dma_wait3A_291, %dma_wait3A_292] : memref<50257x512xf32, #tpu.memory_space<hbm>> -> memref<16x512xf32, #tpu.memory_space<hbm>>
    %dma_wait3A_294 = tpu.memref_slice %arg7[%dma_wait3A_287] : memref<8x!tpu.dma_semaphore, #tpu.memory_space<semaphore_mem>> -> memref<1x!tpu.dma_semaphore, #tpu.memory_space<semaphore_mem>>
    %dma_wait3A_295 = tpu.memref_squeeze %dma_wait3A_294 : memref<1x!tpu.dma_semaphore, #tpu.memory_space<semaphore_mem>> -> memref<!tpu.dma_semaphore, #tpu.memory_space<semaphore_mem>>
    %dma_wait3A_296 = arith.constant 112 : i32
    %dma_wait3A_297 = arith.constant 0 : i32
    %dma_wait3A_298 = tpu.memref_slice %arg6[%dma_wait3A_296, %dma_wait3A_297] : memref<128x512xf32, #tpu.memory_space<vmem>> -> memref<16x512xf32, #tpu.memory_space<vmem>>
    %dma_wait3A_299 = arith.constant 0 : i32
    %dma_wait3A_300 = arith.constant 0 : i32
    %dma_wait3A_301 = tpu.memref_slice %arg3[%dma_wait3A_299, %dma_wait3A_300] : memref<50257x512xf32, #tpu.memory_space<hbm>> -> memref<16x512xf32, #tpu.memory_space<hbm>>
    tpu.wait_dma2 semaphore(%dma_wait3A_295 : memref<!tpu.dma_semaphore, #tpu.memory_space<semaphore_mem>>) src(%dma_wait3A_301 : memref<16x512xf32, #tpu.memory_space<hbm>>) dst(%dma_wait3A_298 : memref<16x512xf32, #tpu.memory_space<vmem>>)
    %add3A_302 = arith.constant 992 : i32
    %add3A_303 = arith.addi %mul3A_34, %add3A_302 : i32
    %dma_start3A_304 = arith.constant 3 : i32
    %dma_start3A_305 = arith.constant 96 : i32
    %dma_start3A_306 = arith.constant 0 : i32
    %dma_start3A_307 = tpu.memref_slice %arg6[%dma_start3A_305, %dma_start3A_306] : memref<128x512xf32, #tpu.memory_space<vmem>> -> memref<32x512xf32, #tpu.memory_space<vmem>>
    %dma_start3A_308 = arith.constant 0 : i32
    %dma_start3A_309 = tpu.memref_slice %arg4[%add3A_303, %dma_start3A_308] : memref<32768x512xf32, #tpu.memory_space<hbm>> -> memref<32x512xf32, #tpu.memory_space<hbm>>
    %dma_start3A_310 = tpu.memref_slice %arg8[%dma_start3A_304] : memref<4x!tpu.dma_semaphore, #tpu.memory_space<semaphore_mem>> -> memref<1x!tpu.dma_semaphore, #tpu.memory_space<semaphore_mem>>
    %dma_start3A_311 = tpu.memref_squeeze %dma_start3A_310 : memref<1x!tpu.dma_semaphore, #tpu.memory_space<semaphore_mem>> -> memref<!tpu.dma_semaphore, #tpu.memory_space<semaphore_mem>>
    %dma_start3A_312 = arith.constant 0 : i32
    %dma_start3A_313 = tpu.memref_slice %arg4[%add3A_303, %dma_start3A_312] : memref<32768x512xf32, #tpu.memory_space<hbm>> -> memref<32x512xf32, #tpu.memory_space<hbm>>
    %dma_start3A_314 = arith.constant 96 : i32
    %dma_start3A_315 = arith.constant 0 : i32
    %dma_start3A_316 = tpu.memref_slice %arg6[%dma_start3A_314, %dma_start3A_315] : memref<128x512xf32, #tpu.memory_space<vmem>> -> memref<32x512xf32, #tpu.memory_space<vmem>>
    tpu.enqueue_dma source(%dma_start3A_316 : memref<32x512xf32, #tpu.memory_space<vmem>>) target(%dma_start3A_313 : memref<32x512xf32, #tpu.memory_space<hbm>>) target_semaphore(%dma_start3A_311 : memref<!tpu.dma_semaphore, #tpu.memory_space<semaphore_mem>>)
    %dma_wait3A_317 = arith.constant 0 : i32
    %dma_wait3A_318 = arith.constant 0 : i32
    %dma_wait3A_319 = arith.constant 0 : i32
    %dma_wait3A_320 = tpu.memref_slice %arg6[%dma_wait3A_318, %dma_wait3A_319] : memref<128x512xf32, #tpu.memory_space<vmem>> -> memref<32x512xf32, #tpu.memory_space<vmem>>
    %dma_wait3A_321 = arith.constant 0 : i32
    %dma_wait3A_322 = tpu.memref_slice %arg4[%mul3A_34, %dma_wait3A_321] : memref<32768x512xf32, #tpu.memory_space<hbm>> -> memref<32x512xf32, #tpu.memory_space<hbm>>
    %dma_wait3A_323 = tpu.memref_slice %arg8[%dma_wait3A_317] : memref<4x!tpu.dma_semaphore, #tpu.memory_space<semaphore_mem>> -> memref<1x!tpu.dma_semaphore, #tpu.memory_space<semaphore_mem>>
    %dma_wait3A_324 = tpu.memref_squeeze %dma_wait3A_323 : memref<1x!tpu.dma_semaphore, #tpu.memory_space<semaphore_mem>> -> memref<!tpu.dma_semaphore, #tpu.memory_space<semaphore_mem>>
    %dma_wait3A_325 = arith.constant 0 : i32
    %dma_wait3A_326 = tpu.memref_slice %arg4[%mul3A_34, %dma_wait3A_325] : memref<32768x512xf32, #tpu.memory_space<hbm>> -> memref<32x512xf32, #tpu.memory_space<hbm>>
    %dma_wait3A_327 = arith.constant 0 : i32
    %dma_wait3A_328 = arith.constant 0 : i32
    %dma_wait3A_329 = tpu.memref_slice %arg6[%dma_wait3A_327, %dma_wait3A_328] : memref<128x512xf32, #tpu.memory_space<vmem>> -> memref<32x512xf32, #tpu.memory_space<vmem>>
    tpu.wait_dma2 semaphore(%dma_wait3A_324 : memref<!tpu.dma_semaphore, #tpu.memory_space<semaphore_mem>>) src(%dma_wait3A_329 : memref<32x512xf32, #tpu.memory_space<vmem>>) dst(%dma_wait3A_326 : memref<32x512xf32, #tpu.memory_space<hbm>>)
    %dma_wait3A_330 = arith.constant 1 : i32
    %dma_wait3A_331 = arith.constant 32 : i32
    %dma_wait3A_332 = arith.constant 0 : i32
    %dma_wait3A_333 = tpu.memref_slice %arg6[%dma_wait3A_331, %dma_wait3A_332] : memref<128x512xf32, #tpu.memory_space<vmem>> -> memref<32x512xf32, #tpu.memory_space<vmem>>
    %dma_wait3A_334 = arith.constant 0 : i32
    %dma_wait3A_335 = tpu.memref_slice %arg4[%mul3A_34, %dma_wait3A_334] : memref<32768x512xf32, #tpu.memory_space<hbm>> -> memref<32x512xf32, #tpu.memory_space<hbm>>
    %dma_wait3A_336 = tpu.memref_slice %arg8[%dma_wait3A_330] : memref<4x!tpu.dma_semaphore, #tpu.memory_space<semaphore_mem>> -> memref<1x!tpu.dma_semaphore, #tpu.memory_space<semaphore_mem>>
    %dma_wait3A_337 = tpu.memref_squeeze %dma_wait3A_336 : memref<1x!tpu.dma_semaphore, #tpu.memory_space<semaphore_mem>> -> memref<!tpu.dma_semaphore, #tpu.memory_space<semaphore_mem>>
    %dma_wait3A_338 = arith.constant 0 : i32
    %dma_wait3A_339 = tpu.memref_slice %arg4[%mul3A_34, %dma_wait3A_338] : memref<32768x512xf32, #tpu.memory_space<hbm>> -> memref<32x512xf32, #tpu.memory_space<hbm>>
    %dma_wait3A_340 = arith.constant 32 : i32
    %dma_wait3A_341 = arith.constant 0 : i32
    %dma_wait3A_342 = tpu.memref_slice %arg6[%dma_wait3A_340, %dma_wait3A_341] : memref<128x512xf32, #tpu.memory_space<vmem>> -> memref<32x512xf32, #tpu.memory_space<vmem>>
    tpu.wait_dma2 semaphore(%dma_wait3A_337 : memref<!tpu.dma_semaphore, #tpu.memory_space<semaphore_mem>>) src(%dma_wait3A_342 : memref<32x512xf32, #tpu.memory_space<vmem>>) dst(%dma_wait3A_339 : memref<32x512xf32, #tpu.memory_space<hbm>>)
    %dma_wait3A_343 = arith.constant 2 : i32
    %dma_wait3A_344 = arith.constant 64 : i32
    %dma_wait3A_345 = arith.constant 0 : i32
    %dma_wait3A_346 = tpu.memref_slice %arg6[%dma_wait3A_344, %dma_wait3A_345] : memref<128x512xf32, #tpu.memory_space<vmem>> -> memref<32x512xf32, #tpu.memory_space<vmem>>
    %dma_wait3A_347 = arith.constant 0 : i32
    %dma_wait3A_348 = tpu.memref_slice %arg4[%mul3A_34, %dma_wait3A_347] : memref<32768x512xf32, #tpu.memory_space<hbm>> -> memref<32x512xf32, #tpu.memory_space<hbm>>
    %dma_wait3A_349 = tpu.memref_slice %arg8[%dma_wait3A_343] : memref<4x!tpu.dma_semaphore, #tpu.memory_space<semaphore_mem>> -> memref<1x!tpu.dma_semaphore, #tpu.memory_space<semaphore_mem>>
    %dma_wait3A_350 = tpu.memref_squeeze %dma_wait3A_349 : memref<1x!tpu.dma_semaphore, #tpu.memory_space<semaphore_mem>> -> memref<!tpu.dma_semaphore, #tpu.memory_space<semaphore_mem>>
    %dma_wait3A_351 = arith.constant 0 : i32
    %dma_wait3A_352 = tpu.memref_slice %arg4[%mul3A_34, %dma_wait3A_351] : memref<32768x512xf32, #tpu.memory_space<hbm>> -> memref<32x512xf32, #tpu.memory_space<hbm>>
    %dma_wait3A_353 = arith.constant 64 : i32
    %dma_wait3A_354 = arith.constant 0 : i32
    %dma_wait3A_355 = tpu.memref_slice %arg6[%dma_wait3A_353, %dma_wait3A_354] : memref<128x512xf32, #tpu.memory_space<vmem>> -> memref<32x512xf32, #tpu.memory_space<vmem>>
    tpu.wait_dma2 semaphore(%dma_wait3A_350 : memref<!tpu.dma_semaphore, #tpu.memory_space<semaphore_mem>>) src(%dma_wait3A_355 : memref<32x512xf32, #tpu.memory_space<vmem>>) dst(%dma_wait3A_352 : memref<32x512xf32, #tpu.memory_space<hbm>>)
    %dma_wait3A_356 = arith.constant 3 : i32
    %dma_wait3A_357 = arith.constant 96 : i32
    %dma_wait3A_358 = arith.constant 0 : i32
    %dma_wait3A_359 = tpu.memref_slice %arg6[%dma_wait3A_357, %dma_wait3A_358] : memref<128x512xf32, #tpu.memory_space<vmem>> -> memref<32x512xf32, #tpu.memory_space<vmem>>
    %dma_wait3A_360 = arith.constant 0 : i32
    %dma_wait3A_361 = tpu.memref_slice %arg4[%mul3A_34, %dma_wait3A_360] : memref<32768x512xf32, #tpu.memory_space<hbm>> -> memref<32x512xf32, #tpu.memory_space<hbm>>
    %dma_wait3A_362 = tpu.memref_slice %arg8[%dma_wait3A_356] : memref<4x!tpu.dma_semaphore, #tpu.memory_space<semaphore_mem>> -> memref<1x!tpu.dma_semaphore, #tpu.memory_space<semaphore_mem>>
    %dma_wait3A_363 = tpu.memref_squeeze %dma_wait3A_362 : memref<1x!tpu.dma_semaphore, #tpu.memory_space<semaphore_mem>> -> memref<!tpu.dma_semaphore, #tpu.memory_space<semaphore_mem>>
    %dma_wait3A_364 = arith.constant 0 : i32
    %dma_wait3A_365 = tpu.memref_slice %arg4[%mul3A_34, %dma_wait3A_364] : memref<32768x512xf32, #tpu.memory_space<hbm>> -> memref<32x512xf32, #tpu.memory_space<hbm>>
    %dma_wait3A_366 = arith.constant 96 : i32
    %dma_wait3A_367 = arith.constant 0 : i32
    %dma_wait3A_368 = tpu.memref_slice %arg6[%dma_wait3A_366, %dma_wait3A_367] : memref<128x512xf32, #tpu.memory_space<vmem>> -> memref<32x512xf32, #tpu.memory_space<vmem>>
    tpu.wait_dma2 semaphore(%dma_wait3A_363 : memref<!tpu.dma_semaphore, #tpu.memory_space<semaphore_mem>>) src(%dma_wait3A_368 : memref<32x512xf32, #tpu.memory_space<vmem>>) dst(%dma_wait3A_365 : memref<32x512xf32, #tpu.memory_space<hbm>>)
    return
  }
}

</mosaic_0001>

<sc_bundles>
// kernel: kernel.3.cloned.1.call-start
scs
__scs_entry_jumppad:
0x0: {  	(pc) =	sbr.rel $0x88, $3  }
0x1: {  	(tag) =	ssettag $0x0;
	lr =	simm.s32 $0x1  }
0x2: {  	[smem:$0x3F9F] =	sst lr;
	_ =	strace $0xD0000000  }
0x3: {  	_ = 	snop  }
0x4: {  	_ = 	snop  }
0x5: {  	_ = 	snop  }
0x6: {  	_ = 	snop  }
0x7: {  	_ = 	snop  }
__scs_overlays_trampoline_lowered:
0x8: {  	[smem:$0x3FAE] =	sst s0  }
0x9: {  	[smem:$0x3FAF] =	sst s1  }
0xa: {  	[smem:$0x3FB0] =	sst s2  }
0xb: {  	[smem:$0x3FB1] =	sst s3  }
0xc: {  	[smem:$0x3FB2] =	sst s4  }
0xd: {  	[smem:$0x3FB3] =	sst s5  }
0xe: {  	[smem:$0x3FB4] =	sst s6  }
0xf: {  	[smem:$0x3FB5] =	sst s7  }
0x10: {  	[smem:$0x3FB6] =	sst s8  }
0x11: {  	[smem:$0x3FB7] =	sst s9;
	s0 =	simm.s32 @!p0 $0x0  }
0x12: {  	s1 =	sld [smem:$0x3F9D];
	s0 =	simm.s32 @p0 $0x1  }
0x13: {  	[smem:$0x3FB8] =	sst s0;
	s0 =	simm.s32 @!p1 $0x0  }
0x14: {  	s2 =	sld [smem:$0x3F9C];
	s0 =	simm.s32 @p1 $0x1  }
0x15: {  	[smem:$0x3FB9] =	sst s0;
	s0 =	simm.s32 @!p2 $0x0  }
0x16: {  	s3 =	sld [smem:$0x3FDB];
	s0 =	simm.s32 @p2 $0x1  }
0x17: {  	s4 =	simm.s32 $0x1BF5;
	[smem:$0x3FBB] =	sst s0  }
0x18: {  	s0 =	sld [smem:$0x3F9E];
	_ =	swait.ge [sflag:s4], $0x0  }
0x19: {  	s7 =	sld [smem:$0x3F9F]  }
0x1a: {  	s8 =	sadd.s32 $0xFFFFE003, lr  }
0x1b: {  	s9 =	sadd.s32 $0xFFFFFEF7, lr;
	s5 =	simm.s32 $0xFFFFFFFF;
	p2 =	slt.u32 s8, $0xFFFFF086  }
0x1c: {  	p1 =	slt.u32 s9, $0xF7A;
	s5 =	simm.s32 @!p2 $0x0  }
0x1d: {  	s5 =	simm.s32 @p1 $0x1;
	p0 =	seq.s32 s7, s2  }
0x1e: {  	s7 =	smul.u32 @!p0 $0xF7A, s2;
	p2 =	seq.s32 @!p0 s5, $0x0  }
0x1f: {  	s9 =	smul.u32 $0xF7A, s1;
	s8 =	simm.s32 @!p0 $0x1BF5;
	p2 =	por !p2, p0  }
0x20: {  	[sflag:s8] =	ssyncset.s32 @!p0 $0xFFFFF086;
	s6 =	sadd.s32 @!p0 s3, s7;
	s7 =	simm.s32 @!p0 $0x108  }
0x21: {  	s3 =	sadd.s32 s3, s9;
	s6 =	sadd.s32 @!p0 $0x88, s6;
	s7 =	simm.s32 @p2 $0x1082  }
0x22: {  	[simem:s7], [sflag:s8] =	dma.local @!p0 [hbm:s6], $0xF7A  }
0x23: {  	s9 =	sor.u32 $0xD0000000, s2;
	s6 =	simm.s32 $0x108;
	_ =	swait.ge @!p0 [sflag:s8], $0x0  }
0x24: {  	s3 =	sadd.s32 $0x88, s3;
	s6 =	simm.s32 @!p1 $0x1082;
	[sflag:s4] =	ssyncset.s32 $0xFFFFF086  }
0x25: {  	[simem:s6], [sflag:s4] =	dma.local [hbm:s3], $0xF7A  }
0x26: {  	[smem:$0x3F9F] =	sst s1;
	(tag) =	ssettag s2;
	_ =	strace s9  }
0x27: {  	s1 =	sld [smem:$0x3FAF]  }
0x28: {  	s2 =	sld [smem:$0x3FB0]  }
0x29: {  	s4 =	sld [smem:$0x3FB2]  }
0x2a: {  	p0 =	seq.s32 s5, $0x0;
	s5 =	sld [smem:$0x3FB3]  }
0x2b: {  	s6 =	sld [smem:$0x3FB4]  }
0x2c: {  	s7 =	sld [smem:$0x3FB5]  }
0x2d: {  	s3 =	simm.s32 $0x108;
	s8 =	sld [smem:$0x3FB6]  }
0x2e: {  	s3 =	simm.s32 @!p0 $0x1082;
	s9 =	sld [smem:$0x3FB7]  }
0x2f: {  	lr =	sadd.s32 s0, s3;
	s0 =	sld [smem:$0x3FAE]  }
0x30: {  	s3 =	sld [smem:$0x3FB1]  }
0x31: {  	[smem:$0x3FBA] =	sst s10  }
0x32: {  	s10 =	sld [smem:$0x3FB8];
	_ =	sdelay $0x3  }
0x33: {  	p0 =	seq.s32 s10, $0x1;
	s10 =	sld [smem:$0x3FBA];
	_ =	sdelay $0x3  }
0x34: {  	[smem:$0x3FBA] =	sst s10  }
0x35: {  	s10 =	sld [smem:$0x3FB9];
	_ =	sdelay $0x3  }
0x36: {  	p1 =	seq.s32 s10, $0x1;
	s10 =	sld [smem:$0x3FBA];
	_ =	sdelay $0x3  }
0x37: {  	[smem:$0x3FBA] =	sst s10  }
0x38: {  	s10 =	sld [smem:$0x3FBB]  }
0x39: {  	_ = 	snop;
	(pc) =	sbr.ind lr, $3  }
0x3a: {  	_ = 	snop  }
0x3b: {  	_ = 	snop  }
0x3c: {  	p2 =	seq.s32 s10, $0x1;
	s10 =	sld [smem:$0x3FBA]  }
0x3d: {  	_ =	shalt  }
0x3e: {  	_ =	shalt  }
0x3f: {  	_ =	shalt  }
0x40: {  	_ =	shalt  }
0x41: {  	_ =	shalt  }
0x42: {  	_ =	shalt  }
0x43: {  	_ =	shalt  }
0x44: {  	_ =	shalt  }
0x45: {  	_ =	shalt  }
0x46: {  	_ =	shalt  }
0x47: {  	_ =	shalt  }
0x48: {  	_ =	shalt  }
0x49: {  	_ =	shalt  }
0x4a: {  	_ =	shalt  }
0x4b: {  	_ =	shalt  }
0x4c: {  	_ =	shalt  }
0x4d: {  	_ =	shalt  }
0x4e: {  	_ =	shalt  }
0x4f: {  	_ =	shalt  }
0x50: {  	_ =	shalt  }
0x51: {  	_ =	shalt  }
0x52: {  	_ =	shalt  }
0x53: {  	_ =	shalt  }
0x54: {  	_ =	shalt  }
0x55: {  	_ =	shalt  }
0x56: {  	_ =	shalt  }
0x57: {  	_ =	shalt  }
0x58: {  	_ =	shalt  }
0x59: {  	_ =	shalt  }
0x5a: {  	_ =	shalt  }
0x5b: {  	_ =	shalt  }
0x5c: {  	_ =	shalt  }
0x5d: {  	_ =	shalt  }
0x5e: {  	_ =	shalt  }
0x5f: {  	_ =	shalt  }
0x60: {  	_ =	shalt  }
0x61: {  	_ =	shalt  }
0x62: {  	_ =	shalt  }
0x63: {  	_ =	shalt  }
0x64: {  	_ =	shalt  }
0x65: {  	_ =	shalt  }
0x66: {  	_ =	shalt  }
0x67: {  	_ =	shalt  }
0x68: {  	_ =	shalt  }
0x69: {  	_ =	shalt  }
0x6a: {  	_ =	shalt  }
0x6b: {  	_ =	shalt  }
0x6c: {  	_ =	shalt  }
0x6d: {  	_ =	shalt  }
0x6e: {  	_ =	shalt  }
0x6f: {  	_ =	shalt  }
0x70: {  	_ =	shalt  }
0x71: {  	_ =	shalt  }
0x72: {  	_ =	shalt  }
0x73: {  	_ =	shalt  }
0x74: {  	_ =	shalt  }
0x75: {  	_ =	shalt  }
0x76: {  	_ =	shalt  }
0x77: {  	_ =	shalt  }
0x78: {  	_ =	shalt  }
0x79: {  	_ =	shalt  }
0x7a: {  	_ =	shalt  }
0x7b: {  	_ =	shalt  }
0x7c: {  	_ =	shalt  }
0x7d: {  	_ =	shalt  }
0x7e: {  	_ =	shalt  }
0x7f: {  	_ =	shalt  }
0x80: {  	_ =	shalt  }
0x81: {  	_ =	shalt  }
0x82: {  	_ =	shalt  }
0x83: {  	_ =	shalt  }
0x84: {  	_ =	shalt  }
0x85: {  	_ =	shalt  }
0x86: {  	_ =	shalt  }
0x87: {  	_ =	shalt  }
.Lfunc_end0:
.L_simem_size_0:
called_computation_lowered:
.L_overlay_start_0:
0x88: {  	s2 =	sld [smem:$0x3FD9]  }
0x89: {  	s3 =	sld [smem:$0x3FFE];
	_ =	sdelay $0x1  }
0x8a: {  	s1 =	srdreg.scid  }
0x8b: {  	s0 =	sand.u32 $0x1, s1  }
0x8c: {  	s18 =	sshll.u32 s0, $0xA;
	s2 =	sadd.s32 s3, s2  }
0x8d: {  	s2 =	sadd.s32 s2, s18  }
0x8e: {  	[smem:$0x3FC6] =	sst s2  }
0x8f: {  	_ = 	snop  }
0x90: {  	s2 =	sld [smem:$0x3FC9]  }
0x91: {  	s19 =	sld [smem:$0x3FC8]  }
0x92: {  	s4 =	sld [smem:$0x3FD0];
	(tm) =	ssettm $0x1  }
0x93: {  	s5 =	sld [smem:$0x3FFB];
	_ =	sdelay $0x3  }
0x94: {  	_ =	strace s5  }
0x95: {  	s5 =	sld [smem:$0x3FFC];
	_ =	sdelay $0x3  }
0x96: {  	_ =	strace s5  }
0x97: {  	s5 =	sld [smem:$0x3FFD];
	_ =	sdelay $0x3  }
0x98: {  	_ =	strace s5  }
0x99: {  	_ =	strace $0x8FFFFFFF  }
0x9a: {  	s20 =	sld [smem:$0x3FDB];
	_ =	sdelay $0x1  }
0x9b: {  	s6 =	simm.s32 $_scs_section_size  }
0x9c: {  	s7 =	simm.s32 $_size__tile_overlayer_lowered;
	s8 =	simm.s32 $_tile_overlayer_lowered  }
0x9d: {  	s23 =	simm.s32 $0x1BFF;
	s22 =	sshll.u32 s8, $0x1;
	s5 =	sadd.s32 s6, s20  }
0x9e: {  	s9 =	simm.s32 $0x0;
	s21 =	sshll.u32 s7, $0x1;
	s7 =	sadd.s32 s22, s5  }
0x9f: {  	[timem:s9], [sflag:s23] =	dma.local [hbm:s7], s21  }
0xa0: {  	_ =	swait.ge [sflag:s23], s21  }
0xa1: {  	s6 =	ssub.s32 $0x0, s21;
	[sflag:s23] =	ssyncset.done $0x0  }
0xa2: {  	[sflag:s23] =	ssyncadd.s32 s6;
	_ =	sdelay $0x1  }
0xa3: {  	s24 =	simm.s32 $0x1B8B  }
0xa4: {  	_ =	swait.ge [sflag:s24], $0x1  }
0xa5: {  	[sflag:s24] =	ssyncset.done $0x0  }
0xa6: {  	s25 =	simm.s32 $0x1B8E;
	[sflag:s24] =	ssyncadd.s32 $0xFFFFFFFF  }
0xa7: {  	s26 =	simm.s32 $execute0_lowered;
	[smem:$0x3FD2] =	sst s25  }
0xa8: {  	s6 =	sshll.u32 s26, $0x1;
	_ =	strace $0x80000046;
	[dreg:$0x1] =	wrdreg $0xFFFFFFFF  }
0xa9: {  	s28 =	simm.s32 $_size_execute0_lowered;
	s5 =	sadd.s32 s5, s6;
	[dreg:$0x0] =	wrdreg $0x0  }
0xaa: {  	s6 =	sshll.u32 s28, $0x1;
	[dreg:$0x2] =	wrdreg s5  }
0xab: {  	[dreg:$0x3] =	wrdreg s6  }
0xac: {  	[dreg:$0x4] =	wrdreg $0xC0  }
0xad: {  	_ =	task [dreg:s9], $0x5FFFF  }
0xae: {  	[dreg:$0x1] =	wrdreg $0xFFFFFFFF  }
0xaf: {  	[dreg:$0x0] =	wrdreg $0x60  }
0xb0: {  	[dreg:$0x2] =	wrdreg s2  }
0xb1: {  	[dreg:$0x3] =	wrdreg s19  }
0xb2: {  	[dreg:$0x4] =	wrdreg s4  }
0xb3: {  	[dreg:$0x5] =	wrdreg $0x9  }
0xb4: {  	_ =	task.clear_ibuf [dreg:s9], $0x6FFFF;
	_ =	strace $0x90000046  }
0xb5: {  	s29 =	simm.s32 $0x9;
	_ =	strace $0x80000048  }
0xb6: {  	_ =	swait.ge [sflag:s29], $0x1  }
0xb7: {  	[sflag:s29] =	ssyncadd.s32 $0xFFFFFFFF  }
0xb8: {  	_ =	strace $0x90000048  }
0xb9: {  	_ =	sfence  }
0xba: {  	s30 =	sld [smem:$0x0];
	_ =	sdelay $0x2  }
0xbb: {  	s31 =	sshll.u32 s1, $0xD;
	s1 =	sshrl.u32 s1, $0x2  }
0xbc: {  	s3 =	sand.u32 $0x4000, s31;
	s1 =	sadd.s32 s1, s30  }
0xbd: {  	s0 =	sor.u32 s3, s0;
	s1 =	sshll.u32 s1, $0x11  }
0xbe: {  	s0 =	sor.u32 s1, s0  }
0xbf: {  	s0 =	sadd.s32 $0x8F2B, s0  }
0xc0: {  	[sflag:s0] =	ssyncadd.remote.s32 $0x1  }
0xc1: {  	_ =	sfence.sel $0xFFFF  }
0xc2: {  	[dreg:$0x0] =	wrdreg $0xFFFFFFFF;
	(pc) =	sbr.abs _section_cstart, $3  }
0xc3: {  	[dreg:$0x1] =	wrdreg $0xFFFFFFFF  }
0xc4: {  	_ =	task.clear_ibuf [dreg:s9], $0x2FFFF;
	_ =	strace $0x9FFFFFFF  }
0xc5: {  	(tm) =	ssettm $0x7FFFFFFF  }
tec
execute0_lowered:
.L_overlay_start_1:
0x0: {  	(tag) =	ssettag $0x1  }
0x1: {  	s0 =	rddreg [dreg:$0x0]  }
0x2: {  	s1 =	rddreg [dreg:$0x1]  }
0x3: {  	s2 =	rddreg [dreg:$0x2];
	s3 =	simm.s32 $0x0;
	s4 =	srdreg.scid  }
0x4: {  	s10 =	stileid.u32;
	s18 =	simm.s32 $0xC00;
	s14 =	simm.s32 $0x1C00  }
0x5: {  	s12 =	simm.s32 $0x2400;
	s13 =	simm.s32 $0x2C00;
	s15 =	simm.s32 $0x3400  }
0x6: {  	s16 =	simm.s32 $0x3C00;
	s31 =	simm.s32 $0x4400;
	s17 =	simm.s32 $0x4C00  }
0x7: {  	s19 =	simm.s32 $0x1;
	s28 =	simm.s32 $0x8;
	s29 =	simm.s32 $0x9  }
0x8: {  	s30 =	simm.s32 $0xA;
	[smem:$0x7FF] =	sst s3;
	s4 =	sand.u32 $0x1, s4  }
0x9: {  	s5 =	sshll.u32 s10, $0x1;
	s6 =	sshll.u32 s10, $0x2;
	s22 =	sshll.u32 s10, $0x11  }
0xa: {  	s10 =	simm.s32 $0xC400;
	_ =	strace $0x80000047;
	s5 =	sor.u32 s4, s5  }
0xb: {  	s7 =	ssub.s32 $0x2, s4;
	s6 =	sand.u32 $0x30, s6;
	s4 =	sshll.u32 s4, $0x10  }
0xc: {  	s8 =	sshll.u32 s5, $0x9;
	s9 =	sshrl.u32 s7, $0x1;
	s0 =	sadd.s32 s0, s6  }
0xd: {  	s21 =	sshll.u32 s5, $0x10;
	s5 =	sadd.s32 $0x100, s1;
	s6 =	simm.s32 $0x0  }
0xe: {  	s8 =	sand.u32 $0xE00, s8;
	s20 =	ssub.s32 s7, s9;
	s9 =	simm.s32 $0x1400  }
0xf: {  	s7 =	simm.s32 $0x8400;
	s0 =	sadd.s32 s8, s0;
	s26 =	smax.u32 s20, $0x1  }
0x10: {  	s8 =	simm.s32 $0x5C00;
	[dreg:$0x5] =	wrdreg s0;
	s0 =	sadd.s32 s21, s2  }
0x11: {  	s20 =	simm.s32 $0x2;
	[dreg:$0xa] =	wrdreg s26;
	s23 =	sadd.s32 $0xE000, s0  }
0x12: {  	s2 =	sadd.s32 s22, s2;
	s24 =	sadd.s32 $0xE800, s0;
	[dreg:$0x6] =	wrdreg s23  }
0x13: {  	s22 =	simm.s32 $0x400;
	s25 =	sadd.s32 $0xF000, s0;
	[dreg:$0x7] =	wrdreg s24  }
0x14: {  	s21 =	simm.s32 $0x3;
	s0 =	sadd.s32 $0xF800, s0;
	[dreg:$0x8] =	wrdreg s25  }
0x15: {  	v2 =	vlaneseq.u32;
	s26 =	simm.s32 $0x7;
	s2 =	sadd.s32 s4, s2;
	[dreg:$0x9] =	wrdreg s0  }
0x16: {  	vm0 =	vmmov $0xffff;
	v1 =	vshrl.u32 v2, $0x3;
	[dreg:$0x4] =	wrdreg s2;
	s23 =	simm.s32 $0x4;
	s24 =	simm.s32 $0x5  }
0x17: {  	v0 =	vand.u32 $0x7, v2;
	v2 =	vor.u32 $0x8, v2;
	v1 =	vmul.u32 $0x8, v1;
	s25 =	simm.s32 $0x6;
	s0 =	simm.s32 $0xB;
	s2 =	simm.s32 $0xC  }
.LBB2_1:
0x18: {  	[dreg:$0xb] =	wrdreg s6  }
0x19: {  	s4 =	rddreg [dreg:$0x5];
	s6 =	simm.s32 $0x80;
	s11 =	simm.s32 $0x200  }
0x1a: {  	[tilespmem:s3], [sflag:$0xD] =	stream.strided.gather [hbm4b:s4+s6], $0x400, s11, s6, $0x38;
	[tilespmem:$0x10400] =	vst v63  }
0x1b: {  	s11 =	simm.s32 $0xD  }
0x1c: {  	_ =	swait.ge [sflag:s11], $0x400  }
0x1d: {  	[sflag:s11] =	ssyncset.done $0x0  }
0x1e: {  	[sflag:s11] =	ssyncadd.s32 $0xFFFFFC00  }
0x1f: {  	v3 =	vld [tilespmem:$0x0];
	_ =	sdelay $0x4  }
0x20: {  	v4 =	vshll.u32 v3, $0x2  }
0x21: {  	v3 =	vand.u32 $0x7, v3;
	v4 =	vand.u32 $0xFFFFFFE0, v4  }
0x22: {  	v3 =	vor.u32 v3, v4  }
0x23: {  	v4 =	vperm.xlane v3, v0;
	_ =	sdelay $0x1  }
0x24: {  	v4 =	vadd.s32 v1, v4;
	_ =	sdelay $0x1  }
0x25: {  	v3 =	vperm.xlane v3, v2;
	_ =	sdelay $0x1  }
0x26: {  	v3 =	vadd.s32 v1, v3  }
0x27: {  	[tilespmem:s22], [sflag:$0x1] =	stream.indirect_vreg.gather [hbm4b:s1+s3], $0x80, v4, vm0, $0xb8;
	[tilespmem:$0x10400] =	vst v63  }
0x28: {  	_ = 	snop  }
0x29: {  	[tilespmem:s18], [sflag:$0x1] =	stream.indirect_vreg.gather [hbm4b:s5+s3], $0x80, v4, vm0, $0xb8;
	[tilespmem:$0x10400] =	vst v63  }
0x2a: {  	_ = 	snop  }
0x2b: {  	[tilespmem:s9], [sflag:$0x1] =	stream.indirect_vreg.gather [hbm4b:s1+s3], $0x80, v3, vm0, $0xb8;
	[tilespmem:$0x10400] =	vst v63  }
0x2c: {  	_ = 	snop  }
0x2d: {  	[tilespmem:s14], [sflag:$0x1] =	stream.indirect_vreg.gather [hbm4b:s5+s3], $0x80, v3, vm0, $0xb8;
	[tilespmem:$0x10400] =	vst v63  }
0x2e: {  	v3 =	vld [tilespmem:$0x10];
	_ =	sdelay $0x4  }
0x2f: {  	v57 =	vshll.u32 v3, $0x2  }
0x30: {  	v3 =	vand.u32 $0x7, v3;
	v4 =	vand.u32 $0xFFFFFFE0, v57  }
0x31: {  	v3 =	vor.u32 v3, v4  }
0x32: {  	v4 =	vperm.xlane v3, v0;
	_ =	sdelay $0x1  }
0x33: {  	v4 =	vadd.s32 v1, v4;
	_ =	sdelay $0x1  }
0x34: {  	v3 =	vperm.xlane v3, v2;
	_ =	sdelay $0x1  }
0x35: {  	v3 =	vadd.s32 v1, v3  }
0x36: {  	[tilespmem:s12], [sflag:$0x2] =	stream.indirect_vreg.gather [hbm4b:s1+s3], $0x80, v4, vm0, $0xb8;
	[tilespmem:$0x10400] =	vst v63  }
0x37: {  	_ = 	snop  }
0x38: {  	[tilespmem:s13], [sflag:$0x2] =	stream.indirect_vreg.gather [hbm4b:s5+s3], $0x80, v4, vm0, $0xb8;
	[tilespmem:$0x10400] =	vst v63  }
0x39: {  	_ = 	snop  }
0x3a: {  	[tilespmem:s15], [sflag:$0x2] =	stream.indirect_vreg.gather [hbm4b:s1+s3], $0x80, v3, vm0, $0xb8;
	[tilespmem:$0x10400] =	vst v63  }
0x3b: {  	_ = 	snop  }
0x3c: {  	[tilespmem:s16], [sflag:$0x2] =	stream.indirect_vreg.gather [hbm4b:s5+s3], $0x80, v3, vm0, $0xb8;
	[tilespmem:$0x10400] =	vst v63  }
0x3d: {  	v3 =	vld [tilespmem:$0x20];
	_ =	sdelay $0x4  }
0x3e: {  	v58 =	vshll.u32 v3, $0x2  }
0x3f: {  	v3 =	vand.u32 $0x7, v3;
	v4 =	vand.u32 $0xFFFFFFE0, v58  }
0x40: {  	v3 =	vor.u32 v3, v4  }
0x41: {  	v4 =	vperm.xlane v3, v0;
	_ =	sdelay $0x1  }
0x42: {  	v4 =	vadd.s32 v1, v4;
	_ =	sdelay $0x1  }
0x43: {  	v3 =	vperm.xlane v3, v2;
	_ =	sdelay $0x1  }
0x44: {  	v3 =	vadd.s32 v1, v3  }
0x45: {  	[tilespmem:s31], [sflag:$0x3] =	stream.indirect_vreg.gather [hbm4b:s1+s3], $0x80, v4, vm0, $0xb8;
	[tilespmem:$0x10400] =	vst v63  }
0x46: {  	_ = 	snop  }
0x47: {  	[tilespmem:s17], [sflag:$0x3] =	stream.indirect_vreg.gather [hbm4b:s5+s3], $0x80, v4, vm0, $0xb8;
	[tilespmem:$0x10400] =	vst v63  }
0x48: {  	s18 =	simm.s32 $0x5400  }
0x49: {  	[tilespmem:s18], [sflag:$0x3] =	stream.indirect_vreg.gather [hbm4b:s1+s3], $0x80, v3, vm0, $0xb8;
	[tilespmem:$0x10400] =	vst v63  }
0x4a: {  	_ = 	snop  }
0x4b: {  	[tilespmem:s8], [sflag:$0x3] =	stream.indirect_vreg.gather [hbm4b:s5+s3], $0x80, v3, vm0, $0xb8;
	[tilespmem:$0x10400] =	vst v63  }
0x4c: {  	v3 =	vld [tilespmem:$0x30];
	_ =	sdelay $0x4  }
0x4d: {  	v59 =	vshll.u32 v3, $0x2  }
0x4e: {  	v3 =	vand.u32 $0x7, v3;
	v4 =	vand.u32 $0xFFFFFFE0, v59  }
0x4f: {  	v3 =	vor.u32 v3, v4  }
0x50: {  	v4 =	vperm.xlane v3, v0;
	_ =	sdelay $0x1  }
0x51: {  	v4 =	vadd.s32 v1, v4;
	_ =	sdelay $0x1  }
0x52: {  	v3 =	vperm.xlane v3, v2;
	_ =	sdelay $0x1  }
0x53: {  	s22 =	simm.s32 $0x6400;
	v3 =	vadd.s32 v1, v3  }
0x54: {  	[tilespmem:s22], [sflag:$0x4] =	stream.indirect_vreg.gather [hbm4b:s1+s3], $0x80, v4, vm0, $0xb8;
	[tilespmem:$0x10400] =	vst v63  }
0x55: {  	s31 =	simm.s32 $0x6C00  }
0x56: {  	[tilespmem:s31], [sflag:$0x4] =	stream.indirect_vreg.gather [hbm4b:s5+s3], $0x80, v4, vm0, $0xb8;
	[tilespmem:$0x10400] =	vst v63  }
0x57: {  	s6 =	simm.s32 $0x7400  }
0x58: {  	[tilespmem:s6], [sflag:$0x4] =	stream.indirect_vreg.gather [hbm4b:s1+s3], $0x80, v3, vm0, $0xb8;
	[tilespmem:$0x10400] =	vst v63  }
0x59: {  	s8 =	simm.s32 $0x7C00  }
0x5a: {  	[tilespmem:s8], [sflag:$0x4] =	stream.indirect_vreg.gather [hbm4b:s5+s3], $0x80, v3, vm0, $0xb8;
	[tilespmem:$0x10400] =	vst v63  }
0x5b: {  	v3 =	vld [tilespmem:$0x40];
	_ =	sdelay $0x4  }
0x5c: {  	v60 =	vshll.u32 v3, $0x2  }
0x5d: {  	v3 =	vand.u32 $0x7, v3;
	v4 =	vand.u32 $0xFFFFFFE0, v60  }
0x5e: {  	v3 =	vor.u32 v3, v4  }
0x5f: {  	v4 =	vperm.xlane v3, v0;
	_ =	sdelay $0x1  }
0x60: {  	v4 =	vadd.s32 v1, v4;
	_ =	sdelay $0x1  }
0x61: {  	v3 =	vperm.xlane v3, v2;
	_ =	sdelay $0x1  }
0x62: {  	v3 =	vadd.s32 v1, v3  }
0x63: {  	[tilespmem:s7], [sflag:$0x5] =	stream.indirect_vreg.gather [hbm4b:s1+s3], $0x80, v4, vm0, $0xb8;
	[tilespmem:$0x10400] =	vst v63  }
0x64: {  	s9 =	simm.s32 $0x8C00  }
0x65: {  	[tilespmem:s9], [sflag:$0x5] =	stream.indirect_vreg.gather [hbm4b:s5+s3], $0x80, v4, vm0, $0xb8;
	[tilespmem:$0x10400] =	vst v63  }
0x66: {  	s11 =	simm.s32 $0x9400  }
0x67: {  	[tilespmem:s11], [sflag:$0x5] =	stream.indirect_vreg.gather [hbm4b:s1+s3], $0x80, v3, vm0, $0xb8;
	[tilespmem:$0x10400] =	vst v63  }
0x68: {  	s12 =	simm.s32 $0x9C00  }
0x69: {  	[tilespmem:s12], [sflag:$0x5] =	stream.indirect_vreg.gather [hbm4b:s5+s3], $0x80, v3, vm0, $0xb8;
	[tilespmem:$0x10400] =	vst v63  }
0x6a: {  	v3 =	vld [tilespmem:$0x50];
	_ =	sdelay $0x4  }
0x6b: {  	v61 =	vshll.u32 v3, $0x2  }
0x6c: {  	v3 =	vand.u32 $0x7, v3;
	v4 =	vand.u32 $0xFFFFFFE0, v61  }
0x6d: {  	v3 =	vor.u32 v3, v4  }
0x6e: {  	v4 =	vperm.xlane v3, v0;
	_ =	sdelay $0x1  }
0x6f: {  	v4 =	vadd.s32 v1, v4;
	_ =	sdelay $0x1  }
0x70: {  	v3 =	vperm.xlane v3, v2;
	_ =	sdelay $0x1  }
0x71: {  	s13 =	simm.s32 $0xA400;
	v3 =	vadd.s32 v1, v3  }
0x72: {  	[tilespmem:s13], [sflag:$0x6] =	stream.indirect_vreg.gather [hbm4b:s1+s3], $0x80, v4, vm0, $0xb8;
	[tilespmem:$0x10400] =	vst v63  }
0x73: {  	s14 =	simm.s32 $0xAC00  }
0x74: {  	[tilespmem:s14], [sflag:$0x6] =	stream.indirect_vreg.gather [hbm4b:s5+s3], $0x80, v4, vm0, $0xb8;
	[tilespmem:$0x10400] =	vst v63  }
0x75: {  	s15 =	simm.s32 $0xB400  }
0x76: {  	[tilespmem:s15], [sflag:$0x6] =	stream.indirect_vreg.gather [hbm4b:s1+s3], $0x80, v3, vm0, $0xb8;
	[tilespmem:$0x10400] =	vst v63  }
0x77: {  	s16 =	simm.s32 $0xBC00  }
0x78: {  	[tilespmem:s16], [sflag:$0x6] =	stream.indirect_vreg.gather [hbm4b:s5+s3], $0x80, v3, vm0, $0xb8;
	[tilespmem:$0x10400] =	vst v63  }
0x79: {  	v3 =	vld [tilespmem:$0x60];
	_ =	sdelay $0x4  }
0x7a: {  	v62 =	vshll.u32 v3, $0x2  }
0x7b: {  	v3 =	vand.u32 $0x7, v3;
	v4 =	vand.u32 $0xFFFFFFE0, v62  }
0x7c: {  	v3 =	vor.u32 v3, v4  }
0x7d: {  	v4 =	vperm.xlane v3, v0;
	_ =	sdelay $0x1  }
0x7e: {  	v4 =	vadd.s32 v1, v4;
	_ =	sdelay $0x1  }
0x7f: {  	v3 =	vperm.xlane v3, v2;
	_ =	sdelay $0x1  }
0x80: {  	v3 =	vadd.s32 v1, v3  }
0x81: {  	[tilespmem:s10], [sflag:$0x7] =	stream.indirect_vreg.gather [hbm4b:s1+s3], $0x80, v4, vm0, $0xb8;
	[tilespmem:$0x10400] =	vst v63  }
0x82: {  	s17 =	simm.s32 $0xCC00  }
0x83: {  	[tilespmem:s17], [sflag:$0x7] =	stream.indirect_vreg.gather [hbm4b:s5+s3], $0x80, v4, vm0, $0xb8;
	[tilespmem:$0x10400] =	vst v63  }
0x84: {  	s18 =	simm.s32 $0xD400  }
0x85: {  	[tilespmem:s18], [sflag:$0x7] =	stream.indirect_vreg.gather [hbm4b:s1+s3], $0x80, v3, vm0, $0xb8;
	[tilespmem:$0x10400] =	vst v63  }
0x86: {  	s22 =	simm.s32 $0xDC00  }
0x87: {  	[tilespmem:s22], [sflag:$0x7] =	stream.indirect_vreg.gather [hbm4b:s5+s3], $0x80, v3, vm0, $0xb8;
	[tilespmem:$0x10400] =	vst v63  }
0x88: {  	v3 =	vld [tilespmem:$0x70];
	_ =	sdelay $0x4  }
0x89: {  	v63 =	vshll.u32 v3, $0x2  }
0x8a: {  	v3 =	vand.u32 $0x7, v3;
	v4 =	vand.u32 $0xFFFFFFE0, v63  }
0x8b: {  	v3 =	vor.u32 v3, v4  }
0x8c: {  	v4 =	vperm.xlane v3, v0;
	_ =	sdelay $0x1  }
0x8d: {  	v4 =	vadd.s32 v1, v4;
	_ =	sdelay $0x1  }
0x8e: {  	v3 =	vperm.xlane v3, v2;
	_ =	sdelay $0x1  }
0x8f: {  	s31 =	simm.s32 $0xE400;
	s8 =	simm.s32 $0x5C00;
	v3 =	vadd.s32 v1, v3  }
0x90: {  	[tilespmem:s31], [sflag:$0x8] =	stream.indirect_vreg.gather [hbm4b:s1+s3], $0x80, v4, vm0, $0xb8;
	[tilespmem:$0x10400] =	vst v63  }
0x91: {  	s9 =	simm.s32 $0x6400;
	s11 =	simm.s32 $0xF0;
	s13 =	simm.s32 $0xEC00  }
0x92: {  	[tilespmem:s13], [sflag:$0x8] =	stream.indirect_vreg.gather [hbm4b:s5+s3], $0x80, v4, vm0, $0xb8;
	[tilespmem:$0x10400] =	vst v63  }
0x93: {  	s12 =	simm.s32 $0x0;
	s14 =	simm.s32 $0x5400;
	s16 =	simm.s32 $0xF400  }
0x94: {  	[tilespmem:s16], [sflag:$0x8] =	stream.indirect_vreg.gather [hbm4b:s1+s3], $0x80, v3, vm0, $0xb8;
	[tilespmem:$0x10400] =	vst v63  }
0x95: {  	s15 =	simm.s32 $0x2C00;
	s17 =	simm.s32 $0x3C00;
	s18 =	simm.s32 $0xFC00  }
0x96: {  	[tilespmem:s18], [sflag:$0x8] =	stream.indirect_vreg.gather [hbm4b:s5+s3], $0x80, v3, vm0, $0xb8;
	[tilespmem:$0x10400] =	vst v63  }
.LBB2_2:
0x97: {  	_ =	swait.ge [sflag:s19], $0x2000  }
0x98: {  	[sflag:s19] =	ssyncset.done $0x0  }
0x99: {  	[sflag:s19] =	ssyncadd.s32 $0xFFFFE000  }
0x9a: {  	_ =	swait.ge [sflag:s20], $0x2000  }
0x9b: {  	s4 =	rddreg [dreg:$0x4];
	[sflag:s20] =	ssyncset.done $0x0  }
0x9c: {  	s31 =	simm.s32 $0x400;
	[sflag:s20] =	ssyncadd.s32 $0xFFFFE000;
	s4 =	sadd.s32 s12, s4  }
0x9d: {  	[hbm4b:s4+s3] =	stream.linear.scatter [tilespmem:s31], [sflag:$0x9], $0x4000, $0x38;
	[tilespmem:$0x10400] =	vst v63  }
0x9e: {  	_ =	swait.ge [sflag:s21], $0x2000  }
0x9f: {  	[sflag:s21] =	ssyncset.done $0x0  }
0xa0: {  	[sflag:s21] =	ssyncadd.s32 $0xFFFFE000  }
0xa1: {  	_ =	swait.ge [sflag:s23], $0x2000  }
0xa2: {  	[sflag:s23] =	ssyncset.done $0x0  }
0xa3: {  	s7 =	simm.s32 $0x4400;
	s6 =	sadd.s32 $0x800, s4;
	[sflag:s23] =	ssyncadd.s32 $0xFFFFE000  }
0xa4: {  	[hbm4b:s6+s3] =	stream.linear.scatter [tilespmem:s7], [sflag:$0xA], $0x4000, $0x38;
	[tilespmem:$0x10400] =	vst v63  }
0xa5: {  	_ =	swait.ge [sflag:s24], $0x2000  }
0xa6: {  	[sflag:s24] =	ssyncset.done $0x0  }
0xa7: {  	[sflag:s24] =	ssyncadd.s32 $0xFFFFE000  }
0xa8: {  	_ =	swait.ge [sflag:s25], $0x2000  }
0xa9: {  	[sflag:s25] =	ssyncset.done $0x0  }
0xaa: {  	s10 =	simm.s32 $0x8400;
	s22 =	sadd.s32 $0x1000, s4;
	[sflag:s25] =	ssyncadd.s32 $0xFFFFE000  }
0xab: {  	[hbm4b:s22+s3] =	stream.linear.scatter [tilespmem:s10], [sflag:$0xB], $0x4000, $0x38;
	[tilespmem:$0x10400] =	vst v63  }
0xac: {  	_ =	swait.ge [sflag:s26], $0x2000  }
0xad: {  	[sflag:s26] =	ssyncset.done $0x0  }
0xae: {  	[sflag:s26] =	ssyncadd.s32 $0xFFFFE000  }
0xaf: {  	_ =	swait.ge [sflag:s28], $0x2000  }
0xb0: {  	[sflag:s28] =	ssyncset.done $0x0  }
0xb1: {  	s4 =	sadd.s32 $0x1800, s4;
	s6 =	simm.s32 $0xC400;
	[sflag:s28] =	ssyncadd.s32 $0xFFFFE000  }
0xb2: {  	[hbm4b:s4+s3] =	stream.linear.scatter [tilespmem:s6], [sflag:$0xC], $0x4000, $0x38;
	[tilespmem:$0x10400] =	vst v63  }
0xb3: {  	_ =	swait.ge [sflag:s29], $0x4000  }
0xb4: {  	[sflag:s29] =	ssyncset.done $0x0  }
0xb5: {  	[sflag:s29] =	ssyncadd.s32 $0xFFFFC000  }
0xb6: {  	v3 =	vld [tilespmem:s11+$0xFFFFFF90];
	_ =	sdelay $0x4  }
0xb7: {  	v4 =	vshll.u32 v3, $0x2  }
0xb8: {  	v3 =	vand.u32 $0x7, v3;
	v4 =	vand.u32 $0xFFFFFFE0, v4  }
0xb9: {  	v3 =	vor.u32 v3, v4  }
0xba: {  	v4 =	vperm.xlane v3, v0;
	_ =	sdelay $0x1  }
0xbb: {  	v4 =	vadd.s32 v1, v4;
	_ =	sdelay $0x1  }
0xbc: {  	v3 =	vperm.xlane v3, v2;
	_ =	sdelay $0x1  }
0xbd: {  	v3 =	vadd.s32 v1, v3  }
0xbe: {  	[tilespmem:s31], [sflag:$0x1] =	stream.indirect_vreg.gather [hbm4b:s1+s3], $0x80, v4, vm0, $0xb8;
	[tilespmem:$0x10400] =	vst v63  }
0xbf: {  	s4 =	simm.s32 $0xC00  }
0xc0: {  	[tilespmem:s4], [sflag:$0x1] =	stream.indirect_vreg.gather [hbm4b:s5+s3], $0x80, v4, vm0, $0xb8;
	[tilespmem:$0x10400] =	vst v63  }
0xc1: {  	s4 =	simm.s32 $0x1400  }
0xc2: {  	[tilespmem:s4], [sflag:$0x1] =	stream.indirect_vreg.gather [hbm4b:s1+s3], $0x80, v3, vm0, $0xb8;
	[tilespmem:$0x10400] =	vst v63  }
0xc3: {  	s4 =	simm.s32 $0x1C00  }
0xc4: {  	[tilespmem:s4], [sflag:$0x1] =	stream.indirect_vreg.gather [hbm4b:s5+s3], $0x80, v3, vm0, $0xb8;
	[tilespmem:$0x10400] =	vst v63  }
0xc5: {  	v3 =	vld [tilespmem:s11+$0xFFFFFFA0];
	_ =	sdelay $0x4  }
0xc6: {  	v57 =	vshll.u32 v3, $0x2  }
0xc7: {  	v3 =	vand.u32 $0x7, v3;
	v4 =	vand.u32 $0xFFFFFFE0, v57  }
0xc8: {  	v3 =	vor.u32 v3, v4  }
0xc9: {  	v4 =	vperm.xlane v3, v0;
	_ =	sdelay $0x1  }
0xca: {  	v4 =	vadd.s32 v1, v4;
	_ =	sdelay $0x1  }
0xcb: {  	v3 =	vperm.xlane v3, v2;
	_ =	sdelay $0x1  }
0xcc: {  	s4 =	simm.s32 $0x2400;
	v3 =	vadd.s32 v1, v3  }
0xcd: {  	[tilespmem:s4], [sflag:$0x2] =	stream.indirect_vreg.gather [hbm4b:s1+s3], $0x80, v4, vm0, $0xb8;
	[tilespmem:$0x10400] =	vst v63  }
0xce: {  	_ = 	snop  }
0xcf: {  	[tilespmem:s15], [sflag:$0x2] =	stream.indirect_vreg.gather [hbm4b:s5+s3], $0x80, v4, vm0, $0xb8;
	[tilespmem:$0x10400] =	vst v63  }
0xd0: {  	s4 =	simm.s32 $0x3400  }
0xd1: {  	[tilespmem:s4], [sflag:$0x2] =	stream.indirect_vreg.gather [hbm4b:s1+s3], $0x80, v3, vm0, $0xb8;
	[tilespmem:$0x10400] =	vst v63  }
0xd2: {  	_ = 	snop  }
0xd3: {  	[tilespmem:s17], [sflag:$0x2] =	stream.indirect_vreg.gather [hbm4b:s5+s3], $0x80, v3, vm0, $0xb8;
	[tilespmem:$0x10400] =	vst v63  }
0xd4: {  	_ =	swait.ge [sflag:s30], $0x4000  }
0xd5: {  	[sflag:s30] =	ssyncset.done $0x0  }
0xd6: {  	[sflag:s30] =	ssyncadd.s32 $0xFFFFC000  }
0xd7: {  	v3 =	vld [tilespmem:s11+$0xFFFFFFB0];
	_ =	sdelay $0x4  }
0xd8: {  	v58 =	vshll.u32 v3, $0x2  }
0xd9: {  	v3 =	vand.u32 $0x7, v3;
	v4 =	vand.u32 $0xFFFFFFE0, v58  }
0xda: {  	v3 =	vor.u32 v3, v4  }
0xdb: {  	v4 =	vperm.xlane v3, v0;
	_ =	sdelay $0x1  }
0xdc: {  	v4 =	vadd.s32 v1, v4;
	_ =	sdelay $0x1  }
0xdd: {  	v3 =	vperm.xlane v3, v2;
	_ =	sdelay $0x1  }
0xde: {  	v3 =	vadd.s32 v1, v3  }
0xdf: {  	[tilespmem:s7], [sflag:$0x3] =	stream.indirect_vreg.gather [hbm4b:s1+s3], $0x80, v4, vm0, $0xb8;
	[tilespmem:$0x10400] =	vst v63  }
0xe0: {  	s7 =	simm.s32 $0x4C00  }
0xe1: {  	[tilespmem:s7], [sflag:$0x3] =	stream.indirect_vreg.gather [hbm4b:s5+s3], $0x80, v4, vm0, $0xb8;
	[tilespmem:$0x10400] =	vst v63  }
0xe2: {  	_ = 	snop  }
0xe3: {  	[tilespmem:s14], [sflag:$0x3] =	stream.indirect_vreg.gather [hbm4b:s1+s3], $0x80, v3, vm0, $0xb8;
	[tilespmem:$0x10400] =	vst v63  }
0xe4: {  	_ = 	snop  }
0xe5: {  	[tilespmem:s8], [sflag:$0x3] =	stream.indirect_vreg.gather [hbm4b:s5+s3], $0x80, v3, vm0, $0xb8;
	[tilespmem:$0x10400] =	vst v63  }
0xe6: {  	v3 =	vld [tilespmem:s11+$0xFFFFFFC0];
	_ =	sdelay $0x4  }
0xe7: {  	v59 =	vshll.u32 v3, $0x2  }
0xe8: {  	v3 =	vand.u32 $0x7, v3;
	v4 =	vand.u32 $0xFFFFFFE0, v59  }
0xe9: {  	v3 =	vor.u32 v3, v4  }
0xea: {  	v4 =	vperm.xlane v3, v0;
	_ =	sdelay $0x1  }
0xeb: {  	v4 =	vadd.s32 v1, v4;
	_ =	sdelay $0x1  }
0xec: {  	v3 =	vperm.xlane v3, v2;
	_ =	sdelay $0x1  }
0xed: {  	v3 =	vadd.s32 v1, v3  }
0xee: {  	[tilespmem:s9], [sflag:$0x4] =	stream.indirect_vreg.gather [hbm4b:s1+s3], $0x80, v4, vm0, $0xb8;
	[tilespmem:$0x10400] =	vst v63  }
0xef: {  	s7 =	simm.s32 $0x6C00  }
0xf0: {  	[tilespmem:s7], [sflag:$0x4] =	stream.indirect_vreg.gather [hbm4b:s5+s3], $0x80, v4, vm0, $0xb8;
	[tilespmem:$0x10400] =	vst v63  }
0xf1: {  	s7 =	simm.s32 $0x7400  }
0xf2: {  	[tilespmem:s7], [sflag:$0x4] =	stream.indirect_vreg.gather [hbm4b:s1+s3], $0x80, v3, vm0, $0xb8;
	[tilespmem:$0x10400] =	vst v63  }
0xf3: {  	s7 =	simm.s32 $0x7C00  }
0xf4: {  	[tilespmem:s7], [sflag:$0x4] =	stream.indirect_vreg.gather [hbm4b:s5+s3], $0x80, v3, vm0, $0xb8;
	[tilespmem:$0x10400] =	vst v63  }
0xf5: {  	_ =	swait.ge [sflag:s0], $0x4000  }
0xf6: {  	[sflag:s0] =	ssyncset.done $0x0  }
0xf7: {  	[sflag:s0] =	ssyncadd.s32 $0xFFFFC000  }
0xf8: {  	v3 =	vld [tilespmem:s11+$0xFFFFFFD0];
	_ =	sdelay $0x4  }
0xf9: {  	v60 =	vshll.u32 v3, $0x2  }
0xfa: {  	v3 =	vand.u32 $0x7, v3;
	v4 =	vand.u32 $0xFFFFFFE0, v60  }
0xfb: {  	v3 =	vor.u32 v3, v4  }
0xfc: {  	v4 =	vperm.xlane v3, v0;
	_ =	sdelay $0x1  }
0xfd: {  	v4 =	vadd.s32 v1, v4;
	_ =	sdelay $0x1  }
0xfe: {  	v3 =	vperm.xlane v3, v2;
	_ =	sdelay $0x1  }
0xff: {  	v3 =	vadd.s32 v1, v3  }
0x100: {  	[tilespmem:s10], [sflag:$0x5] =	stream.indirect_vreg.gather [hbm4b:s1+s3], $0x80, v4, vm0, $0xb8;
	[tilespmem:$0x10400] =	vst v63  }
0x101: {  	s10 =	simm.s32 $0x8C00  }
0x102: {  	[tilespmem:s10], [sflag:$0x5] =	stream.indirect_vreg.gather [hbm4b:s5+s3], $0x80, v4, vm0, $0xb8;
	[tilespmem:$0x10400] =	vst v63  }
0x103: {  	s10 =	simm.s32 $0x9400  }
0x104: {  	[tilespmem:s10], [sflag:$0x5] =	stream.indirect_vreg.gather [hbm4b:s1+s3], $0x80, v3, vm0, $0xb8;
	[tilespmem:$0x10400] =	vst v63  }
0x105: {  	s10 =	simm.s32 $0x9C00  }
0x106: {  	[tilespmem:s10], [sflag:$0x5] =	stream.indirect_vreg.gather [hbm4b:s5+s3], $0x80, v3, vm0, $0xb8;
	[tilespmem:$0x10400] =	vst v63  }
0x107: {  	v3 =	vld [tilespmem:s11+$0xFFFFFFE0];
	_ =	sdelay $0x4  }
0x108: {  	v61 =	vshll.u32 v3, $0x2  }
0x109: {  	v3 =	vand.u32 $0x7, v3;
	v4 =	vand.u32 $0xFFFFFFE0, v61  }
0x10a: {  	v3 =	vor.u32 v3, v4  }
0x10b: {  	v4 =	vperm.xlane v3, v0;
	_ =	sdelay $0x1  }
0x10c: {  	v4 =	vadd.s32 v1, v4;
	_ =	sdelay $0x1  }
0x10d: {  	v3 =	vperm.xlane v3, v2;
	_ =	sdelay $0x1  }
0x10e: {  	s10 =	simm.s32 $0xA400;
	v3 =	vadd.s32 v1, v3  }
0x10f: {  	[tilespmem:s10], [sflag:$0x6] =	stream.indirect_vreg.gather [hbm4b:s1+s3], $0x80, v4, vm0, $0xb8;
	[tilespmem:$0x10400] =	vst v63  }
0x110: {  	s10 =	simm.s32 $0xAC00  }
0x111: {  	[tilespmem:s10], [sflag:$0x6] =	stream.indirect_vreg.gather [hbm4b:s5+s3], $0x80, v4, vm0, $0xb8;
	[tilespmem:$0x10400] =	vst v63  }
0x112: {  	s10 =	simm.s32 $0xB400  }
0x113: {  	[tilespmem:s10], [sflag:$0x6] =	stream.indirect_vreg.gather [hbm4b:s1+s3], $0x80, v3, vm0, $0xb8;
	[tilespmem:$0x10400] =	vst v63  }
0x114: {  	s10 =	simm.s32 $0xBC00  }
0x115: {  	[tilespmem:s10], [sflag:$0x6] =	stream.indirect_vreg.gather [hbm4b:s5+s3], $0x80, v3, vm0, $0xb8;
	[tilespmem:$0x10400] =	vst v63  }
0x116: {  	_ =	swait.ge [sflag:s2], $0x4000  }
0x117: {  	[sflag:s2] =	ssyncset.done $0x0  }
0x118: {  	[sflag:s2] =	ssyncadd.s32 $0xFFFFC000  }
0x119: {  	v3 =	vld [tilespmem:s11+$0xFFFFFFF0];
	_ =	sdelay $0x4  }
0x11a: {  	v62 =	vshll.u32 v3, $0x2  }
0x11b: {  	v3 =	vand.u32 $0x7, v3;
	v4 =	vand.u32 $0xFFFFFFE0, v62  }
0x11c: {  	v3 =	vor.u32 v3, v4  }
0x11d: {  	v4 =	vperm.xlane v3, v0;
	_ =	sdelay $0x1  }
0x11e: {  	v4 =	vadd.s32 v1, v4;
	_ =	sdelay $0x1  }
0x11f: {  	v3 =	vperm.xlane v3, v2;
	_ =	sdelay $0x1  }
0x120: {  	v3 =	vadd.s32 v1, v3  }
0x121: {  	[tilespmem:s6], [sflag:$0x7] =	stream.indirect_vreg.gather [hbm4b:s1+s3], $0x80, v4, vm0, $0xb8;
	[tilespmem:$0x10400] =	vst v63  }
0x122: {  	s6 =	simm.s32 $0xCC00  }
0x123: {  	[tilespmem:s6], [sflag:$0x7] =	stream.indirect_vreg.gather [hbm4b:s5+s3], $0x80, v4, vm0, $0xb8;
	[tilespmem:$0x10400] =	vst v63  }
0x124: {  	s6 =	simm.s32 $0xD400  }
0x125: {  	[tilespmem:s6], [sflag:$0x7] =	stream.indirect_vreg.gather [hbm4b:s1+s3], $0x80, v3, vm0, $0xb8;
	[tilespmem:$0x10400] =	vst v63  }
0x126: {  	s6 =	simm.s32 $0xDC00  }
0x127: {  	[tilespmem:s6], [sflag:$0x7] =	stream.indirect_vreg.gather [hbm4b:s5+s3], $0x80, v3, vm0, $0xb8;
	[tilespmem:$0x10400] =	vst v63  }
0x128: {  	v3 =	vld [tilespmem:s11+$0x0];
	_ =	sdelay $0x4  }
0x129: {  	v63 =	vshll.u32 v3, $0x2  }
0x12a: {  	v3 =	vand.u32 $0x7, v3;
	v4 =	vand.u32 $0xFFFFFFE0, v63  }
0x12b: {  	v3 =	vor.u32 v3, v4  }
0x12c: {  	v4 =	vperm.xlane v3, v0;
	_ =	sdelay $0x1  }
0x12d: {  	v4 =	vadd.s32 v1, v4;
	_ =	sdelay $0x2  }
0x12e: {  	v3 =	vperm.xlane v3, v2  }
0x12f: {  	s6 =	simm.s32 $0xE400  }
0x130: {  	v3 =	vadd.s32 v1, v3;
	[tilespmem:s6], [sflag:$0x8] =	stream.indirect_vreg.gather [hbm4b:s1+s3], $0x80, v4, vm0, $0xb8;
	[tilespmem:$0x10400] =	vst v63  }
0x131: {  	p0 =	sne.s32 s12, $0xC000  }
0x132: {  	[tilespmem:s13], [sflag:$0x8] =	stream.indirect_vreg.gather [hbm4b:s5+s3], $0x80, v4, vm0, $0xb8;
	[tilespmem:$0x10400] =	vst v63  }
.Ltmp0:
0x133: {  	_ = 	snop;
	(pc) =	sbr.rel @p0 .LBB2_2-.Ltmp0, $4  }
0x134: {  	s12 =	sadd.s32 $0x2000, s12;
	s22 =	simm.s32 $0x400;
	s31 =	simm.s32 $0x4400  }
0x135: {  	[tilespmem:s16], [sflag:$0x8] =	stream.indirect_vreg.gather [hbm4b:s1+s3], $0x80, v3, vm0, $0xb8;
	[tilespmem:$0x10400] =	vst v63  }
0x136: {  	s7 =	simm.s32 $0x8400;
	s10 =	simm.s32 $0xC400;
	s11 =	sadd.s32 $0x80, s11  }
0x137: {  	[tilespmem:s18], [sflag:$0x8] =	stream.indirect_vreg.gather [hbm4b:s5+s3], $0x80, v3, vm0, $0xb8;
	[tilespmem:$0x10400] =	vst v63  }
0x138: {  	_ =	swait.ge [sflag:s19], $0x2000  }
0x139: {  	[sflag:s19] =	ssyncset.done $0x0  }
0x13a: {  	[sflag:s19] =	ssyncadd.s32 $0xFFFFE000  }
0x13b: {  	_ =	swait.ge [sflag:s20], $0x2000  }
0x13c: {  	[sflag:s20] =	ssyncset.done $0x0  }
0x13d: {  	s4 =	rddreg [dreg:$0x6];
	[sflag:s20] =	ssyncadd.s32 $0xFFFFE000  }
0x13e: {  	[hbm4b:s4+s3] =	stream.linear.scatter [tilespmem:s22], [sflag:$0x9], $0x4000, $0x38;
	[tilespmem:$0x10400] =	vst v63  }
0x13f: {  	_ =	swait.ge [sflag:s21], $0x2000  }
0x140: {  	[sflag:s21] =	ssyncset.done $0x0  }
0x141: {  	[sflag:s21] =	ssyncadd.s32 $0xFFFFE000  }
0x142: {  	_ =	swait.ge [sflag:s23], $0x2000  }
0x143: {  	[sflag:s23] =	ssyncset.done $0x0  }
0x144: {  	s15 =	rddreg [dreg:$0x7];
	[sflag:s23] =	ssyncadd.s32 $0xFFFFE000  }
0x145: {  	[hbm4b:s15+s3] =	stream.linear.scatter [tilespmem:s31], [sflag:$0xA], $0x4000, $0x38;
	[tilespmem:$0x10400] =	vst v63  }
0x146: {  	_ =	swait.ge [sflag:s24], $0x2000  }
0x147: {  	[sflag:s24] =	ssyncset.done $0x0  }
0x148: {  	[sflag:s24] =	ssyncadd.s32 $0xFFFFE000  }
0x149: {  	_ =	swait.ge [sflag:s25], $0x2000  }
0x14a: {  	[sflag:s25] =	ssyncset.done $0x0  }
0x14b: {  	s16 =	rddreg [dreg:$0x8];
	[sflag:s25] =	ssyncadd.s32 $0xFFFFE000  }
0x14c: {  	[hbm4b:s16+s3] =	stream.linear.scatter [tilespmem:s7], [sflag:$0xB], $0x4000, $0x38;
	[tilespmem:$0x10400] =	vst v63  }
0x14d: {  	_ =	swait.ge [sflag:s26], $0x2000  }
0x14e: {  	[sflag:s26] =	ssyncset.done $0x0  }
0x14f: {  	[sflag:s26] =	ssyncadd.s32 $0xFFFFE000  }
0x150: {  	_ =	swait.ge [sflag:s28], $0x2000  }
0x151: {  	[sflag:s28] =	ssyncset.done $0x0  }
0x152: {  	s17 =	rddreg [dreg:$0x9];
	[sflag:s28] =	ssyncadd.s32 $0xFFFFE000  }
0x153: {  	[hbm4b:s17+s3] =	stream.linear.scatter [tilespmem:s10], [sflag:$0xC], $0x4000, $0x38;
	[tilespmem:$0x10400] =	vst v63  }
0x154: {  	_ =	swait.ge [sflag:s29], $0x4000  }
0x155: {  	[sflag:s29] =	ssyncset.done $0x0  }
0x156: {  	[sflag:s29] =	ssyncadd.s32 $0xFFFFC000  }
0x157: {  	_ =	swait.ge [sflag:s30], $0x4000  }
0x158: {  	[sflag:s30] =	ssyncset.done $0x0  }
0x159: {  	[sflag:s30] =	ssyncadd.s32 $0xFFFFC000  }
0x15a: {  	_ =	swait.ge [sflag:s0], $0x4000  }
0x15b: {  	[sflag:s0] =	ssyncset.done $0x0  }
0x15c: {  	[sflag:s0] =	ssyncadd.s32 $0xFFFFC000  }
0x15d: {  	_ =	swait.ge [sflag:s2], $0x4000  }
0x15e: {  	s6 =	rddreg [dreg:$0xb]  }
0x15f: {  	s18 =	rddreg [dreg:$0xa];
	s6 =	sadd.s32 $0x1, s6  }
0x160: {  	p0 =	sne.s32 s6, s18  }
.Ltmp1:
0x161: {  	_ = 	snop;
	(pc) =	sbr.rel @p0 .LBB2_1-.Ltmp1, $4  }
0x162: {  	s9 =	simm.s32 $0x1400;
	s14 =	simm.s32 $0x1C00  }
0x163: {  	s12 =	simm.s32 $0x2400;
	s13 =	simm.s32 $0x2C00;
	s8 =	simm.s32 $0x5C00  }
0x164: {  	s15 =	simm.s32 $0x3400;
	s16 =	simm.s32 $0x3C00;
	[sflag:s2] =	ssyncset.done $0x0  }
0x165: {  	s17 =	simm.s32 $0x4C00;
	[sflag:s2] =	ssyncadd.s32 $0xFFFFC000;
	s18 =	simm.s32 $0xC00  }
0x166: {  	_ =	sfence.sel $0x180000  }
0x167: {  	[bflag:$0x0] =	sbarrier.arrive $0xFFFF  }
0x168: {  	_ =	strace $0x90000047  }
0x169: {  	s0 =	stileid.u32;
	[bflag:$0x2] =	sbarrier.arrive $0xFFFF  }
0x16a: {  	p0 =	sne.s32 s0, $0x0;
	s0 =	rddreg [dreg:$0x3]  }
0x16b: {  	s0 =	sadd.s32 @!p0 $0x100000, s0  }
0x16c: {  	[sflag:s0] =	ssyncadd.tile.s32 @!p0 $0x1;
	_ =	shalt  }
.Lfunc_end2:
_tile_overlayer_lowered:
.L_overlay_start_2:
0x16d: {  	(tag) =	ssettag $0x2  }
0x16e: {  	s0 =	rddreg [dreg:$0x0];
	s2 =	stileid.u32  }
0x16f: {  	s1 =	rddreg [dreg:$0x1];
	p0 =	sne.s32 s2, $0x0  }
0x170: {  	s3 =	rddreg [dreg:$0x2];
	[bflag:$0x3] =	sbarrier.arrive $0xFFFF;
	s2 =	simm.s32 @!p0 $0x1C0D  }
0x171: {  	[timem:s3], [sflag:s2] =	dma.local @!p0 [hbm:s0], s1  }
0x172: {  	s0 =	simm.s32 @!p0 $0xD  }
0x173: {  	_ =	swait.ge @!p0 [sflag:s0], s1  }
0x174: {  	s1 =	ssub.s32 @!p0 $0x0, s1;
	[sflag:s0] =	ssyncset.done @!p0 $0x0  }
0x175: {  	[sflag:s0] =	ssyncadd.s32 @!p0 s1  }
0x176: {  	[bflag:$0x3] =	sbarrier.arrive $0xFFFF  }
0x177: {  	_ =	shalt  }

</sc_bundles>
